<compile_context>
chip_gen: v7x
topology: tpu7x:2x2x1
jax: 0.10.2.dev20260603
libtpu: 0.0.44.dev20260713+nightly
codegen_flags: <defaults>
</compile_context>

<pallas_src>
import functools

import jax
import jax.numpy as jnp
from jax import lax
from jax.experimental import pallas as pl
from jax.experimental.pallas import tpu as pltpu
from jax.experimental.pallas import tpu_sc as plsc

VOCAB = 1000000
EMBED_DIM = 16
BATCH = 16384
FIELDS = 26
N = BATCH * FIELDS
NUM_CORES = 2
NUM_SUBCORES = 16
NW = NUM_CORES * NUM_SUBCORES
GW = 128
G = N // GW
G_PER_W = G // NW
K = 2
CH = K * GW
NCHUNK = G_PER_W // K
L = 16
TROWS = VOCAB // 8


def _make_kernel():
    mesh = plsc.VectorSubcoreMesh(core_axis_name="c", subcore_axis_name="s")

    @functools.partial(
        pl.kernel,
        mesh=mesh,
        out_type=jax.ShapeDtypeStruct((EMBED_DIM, N), jnp.float32),
        scratch_types=[
            pltpu.VMEM((G_PER_W, GW), jnp.int32),
            pltpu.VMEM((2, K, GW), jnp.int32),
            pltpu.VMEM((2, CH, GW), jnp.float32),
            pltpu.VMEM((2, EMBED_DIM, CH), jnp.float32),
            pltpu.SemaphoreType.DMA,
            pltpu.SemaphoreType.DMA,
        ],
        compiler_params=pltpu.CompilerParams(
            use_tc_tiling_on_sc=True, needs_layout_passes=False),
    )
    def k(idx_hbm, tab_hbm, out_hbm, idx_v, gidx_v, grp_v, planes_v,
          gsem, wsem):
        wid = lax.axis_index("s") * NUM_CORES + lax.axis_index("c")
        gbase = wid * G_PER_W
        fbase = gbase * GW
        lane = lax.iota(jnp.int32, L)
        pltpu.sync_copy(idx_hbm.at[pl.ds(gbase, G_PER_W)], idx_v)

        def make_gidx(c, buf):
            for s in range(K):
                row = c * K + s
                for q in range(GW // L):
                    col = lane + q * L
                    v = plsc.load_gather(idx_v, [jnp.full((L,), row,
                                                          jnp.int32), col])
                    plsc.store_scatter(
                        gidx_v, [jnp.full((L,), buf, jnp.int32),
                                 jnp.full((L,), s, jnp.int32), col],
                        lax.shift_right_logical(v, 3))

        def fire(buf):
            for s in range(K):
                pltpu.async_copy(
                    tab_hbm.at[gidx_v.at[buf, s]],
                    grp_v.at[buf, pl.ds(s * GW, GW), :], gsem)

        def drain(buf):
            for s in range(K):
                pltpu.make_async_copy(
                    tab_hbm.at[gidx_v.at[buf, s]],
                    grp_v.at[buf, pl.ds(s * GW, GW), :], gsem).wait()

        def plane_start(c, buf):
            pltpu.async_copy(
                planes_v.at[buf],
                out_hbm.at[:, pl.ds(fbase + c * CH, CH)], wsem)

        def plane_wait(c, buf):
            pltpu.make_async_copy(
                planes_v.at[buf],
                out_hbm.at[:, pl.ds(fbase + c * CH, CH)], wsem).wait()

        make_gidx(0, 0)
        fire(0)

        def chunk(c, carry):
            buf = lax.rem(c, 2)

            @pl.when(c + 1 < NCHUNK)
            def _():
                make_gidx(c + 1, 1 - buf)
                fire(1 - buf)

            drain(buf)

            @pl.when(c >= 2)
            def _():
                plane_wait(c, buf)

            grp = grp_v.at[buf]
            planes = planes_v.at[buf]

            def step(t, carry2):
                s0 = t * L
                row = c * K + t // 8
                col = lane + lax.rem(t, 8) * L
                idxv = plsc.load_gather(
                    idx_v, [jnp.full((L,), row, jnp.int32), col])
                sub = lax.rem(idxv, 8) * EMBED_DIM
                slot = lane + s0
                for j in range(EMBED_DIM):
                    vj = plsc.load_gather(grp, [slot, sub + j])
                    plsc.store_scatter(
                        planes, [jnp.full((L,), j, jnp.int32), slot], vj)
                return carry2

            lax.fori_loop(0, CH // L, step, 0)
            plane_start(c, buf)
            return carry

        lax.fori_loop(0, NCHUNK, chunk, 0)
        plane_wait(NCHUNK - 2, 0)
        plane_wait(NCHUNK - 1, 1)

    return k


_embed_gather = _make_kernel()


def kernel(x, table):
    idx = x.T.reshape(G, GW).astype(jnp.int32)
    tab = table.reshape(TROWS, 8 * EMBED_DIM)
    planes = _embed_gather(idx, tab)
    return planes.reshape(EMBED_DIM, FIELDS, BATCH).transpose(2, 1, 0)

# --- scband reference (transcript-rebuilt; emitter-appended) ---
"""Pipeline reference for scband-embedding-layer-8821862826259 (READ-ONLY COPY).

The authoritative reference and input builder live on the scoring server;
editing this copy changes nothing except your own understanding.
"""

import jax, jax.numpy as jnp
import numpy as np

VOCAB = 1000000
EMBED_DIM = 16
BATCH = 16384
FIELDS = 26

def setup_inputs(seed: int = 0) -> dict:
    key = jax.random.key(seed)
    k1, k2 = jax.random.split(key)
    x = jax.random.randint(k1, (BATCH, FIELDS), 0, VOCAB, dtype=jnp.int64 if jax.config.jax_enable_x64 else jnp.int32)
    table = jax.random.normal(k2, (VOCAB, EMBED_DIM), dtype=jnp.float32)
    return {"x": x, "table": table}

def reference(x, table):
    # nn.Embedding forward: gather rows of the embedding table by index
    return jnp.take(table, x, axis=0)

if __name__ == "__main__":
    import jax
    _d = setup_inputs()
    print(jax.jit(kernel)(*tuple(_d.values())))

</pallas_src>

<mosaic_0001>
#map = affine_map<(d0, d1) -> (0, 0)>
module attributes {stable_mosaic.version = 14 : i64} {
  func.func @k(%arg0: i32, %arg1: i32, %arg2: memref<3328x128xi32, #tpu.memory_space<hbm>>, %arg3: memref<125000x128xf32, #tpu.memory_space<hbm>>, %arg4: memref<16x425984xf32, #tpu.memory_space<hbm>>, %arg5: memref<104x128xi32, #tpu.memory_space<vmem>>, %arg6: memref<2x2x128xi32, #tpu.memory_space<vmem>>, %arg7: memref<2x256x128xf32, #tpu.memory_space<vmem>>, %arg8: memref<2x16x256xf32, #tpu.memory_space<vmem>>, %arg9: memref<!tpu.dma_semaphore, #tpu.memory_space<semaphore_mem>>, %arg10: memref<!tpu.dma_semaphore, #tpu.memory_space<semaphore_mem>>) attributes {dimension_semantics = [#tpu.dimension_semantics<core_parallel>, #tpu.dimension_semantics<subcore_parallel>], iteration_bounds = array<i64: 2, 16>, scalar_prefetch = 0 : i64, scratch_operands = 6 : i64, tpu.core_type = #tpu.core_type<sc_vector_subcore>, window_params = [{transform_indices = #map}, {transform_indices = #map}, {transform_indices = #map}]} {
    %mul3A = arith.constant 2 : i32
    %mul3A_0 = arith.muli %arg1, %mul3A : i32
    %add3A = arith.addi %mul3A_0, %arg0 : i32
    %mul3A_1 = arith.constant 104 : i32
    %mul3A_2 = arith.muli %add3A, %mul3A_1 : i32
    %mul3A_3 = arith.constant 128 : i32
    %mul3A_4 = arith.muli %mul3A_2, %mul3A_3 : i32
    %iota3A = tpu.iota {dimensions = array<i32: 0>} : vector<16xi32>
    "tpu.region"() ({
      %run_scoped3A = tpu.sem_alloc : memref<!tpu.dma_semaphore, #tpu.memory_space<semaphore_mem>>
      %dma_start3A_269 = arith.constant 0 : i32
      %dma_start3A_270 = tpu.memref_slice %arg2[%mul3A_2, %dma_start3A_269] : memref<3328x128xi32, #tpu.memory_space<hbm>> -> memref<104x128xi32, #tpu.memory_space<hbm>>
      %dma_start3A_271 = arith.constant 0 : i32
      %dma_start3A_272 = tpu.memref_slice %arg2[%mul3A_2, %dma_start3A_271] : memref<3328x128xi32, #tpu.memory_space<hbm>> -> memref<104x128xi32, #tpu.memory_space<hbm>>
      tpu.enqueue_dma source(%dma_start3A_272 : memref<104x128xi32, #tpu.memory_space<hbm>>) target(%arg5 : memref<104x128xi32, #tpu.memory_space<vmem>>) target_semaphore(%run_scoped3A : memref<!tpu.dma_semaphore, #tpu.memory_space<semaphore_mem>>)
      %dma_wait3A_273 = arith.constant 0 : i32
      %dma_wait3A_274 = tpu.memref_slice %arg2[%mul3A_2, %dma_wait3A_273] : memref<3328x128xi32, #tpu.memory_space<hbm>> -> memref<104x128xi32, #tpu.memory_space<hbm>>
      %dma_wait3A_275 = arith.constant 0 : i32
      %dma_wait3A_276 = tpu.memref_slice %arg2[%mul3A_2, %dma_wait3A_275] : memref<3328x128xi32, #tpu.memory_space<hbm>> -> memref<104x128xi32, #tpu.memory_space<hbm>>
      tpu.wait_dma2 semaphore(%run_scoped3A : memref<!tpu.dma_semaphore, #tpu.memory_space<semaphore_mem>>) src(%dma_wait3A_276 : memref<104x128xi32, #tpu.memory_space<hbm>>) dst(%arg5 : memref<104x128xi32, #tpu.memory_space<vmem>>)
      tpu.yield
    }) : () -> ()
    %add3A_5 = arith.constant 0 : i32
    %add3A_6 = vector.broadcast %add3A_5 : i32 to vector<16xi32>
    %add3A_7 = arith.addi %iota3A, %add3A_6 : vector<16xi32>
    %broadcast_in_dim3A = arith.constant 0 : i32
    %broadcast_in_dim3A_8 = vector.broadcast %broadcast_in_dim3A : i32 to vector<16xi32>
    %gather3A = tpu.vector_load_idx %arg5[%broadcast_in_dim3A_8, %add3A_7] : memref<104x128xi32, #tpu.memory_space<vmem>>[vector<16xi32>, vector<16xi32>], vector<16xi32>,
    %broadcast_in_dim3A_9 = arith.constant 0 : i32
    %broadcast_in_dim3A_10 = vector.broadcast %broadcast_in_dim3A_9 : i32 to vector<16xi32>
    %broadcast_in_dim3A_11 = arith.constant 0 : i32
    %broadcast_in_dim3A_12 = vector.broadcast %broadcast_in_dim3A_11 : i32 to vector<16xi32>
    %shift_right_logical3A = arith.constant 3 : i32
    %shift_right_logical3A_13 = vector.broadcast %shift_right_logical3A : i32 to vector<16xi32>
    %shift_right_logical3A_14 = arith.shrui %gather3A, %shift_right_logical3A_13 : vector<16xi32>
    tpu.vector_store_idx %arg6[%broadcast_in_dim3A_10, %broadcast_in_dim3A_12, %add3A_7], %shift_right_logical3A_14 : memref<2x2x128xi32, #tpu.memory_space<vmem>>[vector<16xi32>, vector<16xi32>, vector<16xi32>], vector<16xi32>,
    %add3A_15 = arith.constant 16 : i32
    %add3A_16 = vector.broadcast %add3A_15 : i32 to vector<16xi32>
    %add3A_17 = arith.addi %iota3A, %add3A_16 : vector<16xi32>
    %broadcast_in_dim3A_18 = arith.constant 0 : i32
    %broadcast_in_dim3A_19 = vector.broadcast %broadcast_in_dim3A_18 : i32 to vector<16xi32>
    %gather3A_20 = tpu.vector_load_idx %arg5[%broadcast_in_dim3A_19, %add3A_17] : memref<104x128xi32, #tpu.memory_space<vmem>>[vector<16xi32>, vector<16xi32>], vector<16xi32>,
    %broadcast_in_dim3A_21 = arith.constant 0 : i32
    %broadcast_in_dim3A_22 = vector.broadcast %broadcast_in_dim3A_21 : i32 to vector<16xi32>
    %broadcast_in_dim3A_23 = arith.constant 0 : i32
    %broadcast_in_dim3A_24 = vector.broadcast %broadcast_in_dim3A_23 : i32 to vector<16xi32>
    %shift_right_logical3A_25 = arith.constant 3 : i32
    %shift_right_logical3A_26 = vector.broadcast %shift_right_logical3A_25 : i32 to vector<16xi32>
    %shift_right_logical3A_27 = arith.shrui %gather3A_20, %shift_right_logical3A_26 : vector<16xi32>
    tpu.vector_store_idx %arg6[%broadcast_in_dim3A_22, %broadcast_in_dim3A_24, %add3A_17], %shift_right_logical3A_27 : memref<2x2x128xi32, #tpu.memory_space<vmem>>[vector<16xi32>, vector<16xi32>, vector<16xi32>], vector<16xi32>,
    %add3A_28 = arith.constant 32 : i32
    %add3A_29 = vector.broadcast %add3A_28 : i32 to vector<16xi32>
    %add3A_30 = arith.addi %iota3A, %add3A_29 : vector<16xi32>
    %broadcast_in_dim3A_31 = arith.constant 0 : i32
    %broadcast_in_dim3A_32 = vector.broadcast %broadcast_in_dim3A_31 : i32 to vector<16xi32>
    %gather3A_33 = tpu.vector_load_idx %arg5[%broadcast_in_dim3A_32, %add3A_30] : memref<104x128xi32, #tpu.memory_space<vmem>>[vector<16xi32>, vector<16xi32>], vector<16xi32>,
    %broadcast_in_dim3A_34 = arith.constant 0 : i32
    %broadcast_in_dim3A_35 = vector.broadcast %broadcast_in_dim3A_34 : i32 to vector<16xi32>
    %broadcast_in_dim3A_36 = arith.constant 0 : i32
    %broadcast_in_dim3A_37 = vector.broadcast %broadcast_in_dim3A_36 : i32 to vector<16xi32>
    %shift_right_logical3A_38 = arith.constant 3 : i32
    %shift_right_logical3A_39 = vector.broadcast %shift_right_logical3A_38 : i32 to vector<16xi32>
    %shift_right_logical3A_40 = arith.shrui %gather3A_33, %shift_right_logical3A_39 : vector<16xi32>
    tpu.vector_store_idx %arg6[%broadcast_in_dim3A_35, %broadcast_in_dim3A_37, %add3A_30], %shift_right_logical3A_40 : memref<2x2x128xi32, #tpu.memory_space<vmem>>[vector<16xi32>, vector<16xi32>, vector<16xi32>], vector<16xi32>,
    %add3A_41 = arith.constant 48 : i32
    %add3A_42 = vector.broadcast %add3A_41 : i32 to vector<16xi32>
    %add3A_43 = arith.addi %iota3A, %add3A_42 : vector<16xi32>
    %broadcast_in_dim3A_44 = arith.constant 0 : i32
    %broadcast_in_dim3A_45 = vector.broadcast %broadcast_in_dim3A_44 : i32 to vector<16xi32>
    %gather3A_46 = tpu.vector_load_idx %arg5[%broadcast_in_dim3A_45, %add3A_43] : memref<104x128xi32, #tpu.memory_space<vmem>>[vector<16xi32>, vector<16xi32>], vector<16xi32>,
    %broadcast_in_dim3A_47 = arith.constant 0 : i32
    %broadcast_in_dim3A_48 = vector.broadcast %broadcast_in_dim3A_47 : i32 to vector<16xi32>
    %broadcast_in_dim3A_49 = arith.constant 0 : i32
    %broadcast_in_dim3A_50 = vector.broadcast %broadcast_in_dim3A_49 : i32 to vector<16xi32>
    %shift_right_logical3A_51 = arith.constant 3 : i32
    %shift_right_logical3A_52 = vector.broadcast %shift_right_logical3A_51 : i32 to vector<16xi32>
    %shift_right_logical3A_53 = arith.shrui %gather3A_46, %shift_right_logical3A_52 : vector<16xi32>
    tpu.vector_store_idx %arg6[%broadcast_in_dim3A_48, %broadcast_in_dim3A_50, %add3A_43], %shift_right_logical3A_53 : memref<2x2x128xi32, #tpu.memory_space<vmem>>[vector<16xi32>, vector<16xi32>, vector<16xi32>], vector<16xi32>,
    %add3A_54 = arith.constant 64 : i32
    %add3A_55 = vector.broadcast %add3A_54 : i32 to vector<16xi32>
    %add3A_56 = arith.addi %iota3A, %add3A_55 : vector<16xi32>
    %broadcast_in_dim3A_57 = arith.constant 0 : i32
    %broadcast_in_dim3A_58 = vector.broadcast %broadcast_in_dim3A_57 : i32 to vector<16xi32>
    %gather3A_59 = tpu.vector_load_idx %arg5[%broadcast_in_dim3A_58, %add3A_56] : memref<104x128xi32, #tpu.memory_space<vmem>>[vector<16xi32>, vector<16xi32>], vector<16xi32>,
    %broadcast_in_dim3A_60 = arith.constant 0 : i32
    %broadcast_in_dim3A_61 = vector.broadcast %broadcast_in_dim3A_60 : i32 to vector<16xi32>
    %broadcast_in_dim3A_62 = arith.constant 0 : i32
    %broadcast_in_dim3A_63 = vector.broadcast %broadcast_in_dim3A_62 : i32 to vector<16xi32>
    %shift_right_logical3A_64 = arith.constant 3 : i32
    %shift_right_logical3A_65 = vector.broadcast %shift_right_logical3A_64 : i32 to vector<16xi32>
    %shift_right_logical3A_66 = arith.shrui %gather3A_59, %shift_right_logical3A_65 : vector<16xi32>
    tpu.vector_store_idx %arg6[%broadcast_in_dim3A_61, %broadcast_in_dim3A_63, %add3A_56], %shift_right_logical3A_66 : memref<2x2x128xi32, #tpu.memory_space<vmem>>[vector<16xi32>, vector<16xi32>, vector<16xi32>], vector<16xi32>,
    %add3A_67 = arith.constant 80 : i32
    %add3A_68 = vector.broadcast %add3A_67 : i32 to vector<16xi32>
    %add3A_69 = arith.addi %iota3A, %add3A_68 : vector<16xi32>
    %broadcast_in_dim3A_70 = arith.constant 0 : i32
    %broadcast_in_dim3A_71 = vector.broadcast %broadcast_in_dim3A_70 : i32 to vector<16xi32>
    %gather3A_72 = tpu.vector_load_idx %arg5[%broadcast_in_dim3A_71, %add3A_69] : memref<104x128xi32, #tpu.memory_space<vmem>>[vector<16xi32>, vector<16xi32>], vector<16xi32>,
    %broadcast_in_dim3A_73 = arith.constant 0 : i32
    %broadcast_in_dim3A_74 = vector.broadcast %broadcast_in_dim3A_73 : i32 to vector<16xi32>
    %broadcast_in_dim3A_75 = arith.constant 0 : i32
    %broadcast_in_dim3A_76 = vector.broadcast %broadcast_in_dim3A_75 : i32 to vector<16xi32>
    %shift_right_logical3A_77 = arith.constant 3 : i32
    %shift_right_logical3A_78 = vector.broadcast %shift_right_logical3A_77 : i32 to vector<16xi32>
    %shift_right_logical3A_79 = arith.shrui %gather3A_72, %shift_right_logical3A_78 : vector<16xi32>
    tpu.vector_store_idx %arg6[%broadcast_in_dim3A_74, %broadcast_in_dim3A_76, %add3A_69], %shift_right_logical3A_79 : memref<2x2x128xi32, #tpu.memory_space<vmem>>[vector<16xi32>, vector<16xi32>, vector<16xi32>], vector<16xi32>,
    %add3A_80 = arith.constant 96 : i32
    %add3A_81 = vector.broadcast %add3A_80 : i32 to vector<16xi32>
    %add3A_82 = arith.addi %iota3A, %add3A_81 : vector<16xi32>
    %broadcast_in_dim3A_83 = arith.constant 0 : i32
    %broadcast_in_dim3A_84 = vector.broadcast %broadcast_in_dim3A_83 : i32 to vector<16xi32>
    %gather3A_85 = tpu.vector_load_idx %arg5[%broadcast_in_dim3A_84, %add3A_82] : memref<104x128xi32, #tpu.memory_space<vmem>>[vector<16xi32>, vector<16xi32>], vector<16xi32>,
    %broadcast_in_dim3A_86 = arith.constant 0 : i32
    %broadcast_in_dim3A_87 = vector.broadcast %broadcast_in_dim3A_86 : i32 to vector<16xi32>
    %broadcast_in_dim3A_88 = arith.constant 0 : i32
    %broadcast_in_dim3A_89 = vector.broadcast %broadcast_in_dim3A_88 : i32 to vector<16xi32>
    %shift_right_logical3A_90 = arith.constant 3 : i32
    %shift_right_logical3A_91 = vector.broadcast %shift_right_logical3A_90 : i32 to vector<16xi32>
    %shift_right_logical3A_92 = arith.shrui %gather3A_85, %shift_right_logical3A_91 : vector<16xi32>
    tpu.vector_store_idx %arg6[%broadcast_in_dim3A_87, %broadcast_in_dim3A_89, %add3A_82], %shift_right_logical3A_92 : memref<2x2x128xi32, #tpu.memory_space<vmem>>[vector<16xi32>, vector<16xi32>, vector<16xi32>], vector<16xi32>,
    %add3A_93 = arith.constant 112 : i32
    %add3A_94 = vector.broadcast %add3A_93 : i32 to vector<16xi32>
    %add3A_95 = arith.addi %iota3A, %add3A_94 : vector<16xi32>
    %broadcast_in_dim3A_96 = arith.constant 0 : i32
    %broadcast_in_dim3A_97 = vector.broadcast %broadcast_in_dim3A_96 : i32 to vector<16xi32>
    %gather3A_98 = tpu.vector_load_idx %arg5[%broadcast_in_dim3A_97, %add3A_95] : memref<104x128xi32, #tpu.memory_space<vmem>>[vector<16xi32>, vector<16xi32>], vector<16xi32>,
    %broadcast_in_dim3A_99 = arith.constant 0 : i32
    %broadcast_in_dim3A_100 = vector.broadcast %broadcast_in_dim3A_99 : i32 to vector<16xi32>
    %broadcast_in_dim3A_101 = arith.constant 0 : i32
    %broadcast_in_dim3A_102 = vector.broadcast %broadcast_in_dim3A_101 : i32 to vector<16xi32>
    %shift_right_logical3A_103 = arith.constant 3 : i32
    %shift_right_logical3A_104 = vector.broadcast %shift_right_logical3A_103 : i32 to vector<16xi32>
    %shift_right_logical3A_105 = arith.shrui %gather3A_98, %shift_right_logical3A_104 : vector<16xi32>
    tpu.vector_store_idx %arg6[%broadcast_in_dim3A_100, %broadcast_in_dim3A_102, %add3A_95], %shift_right_logical3A_105 : memref<2x2x128xi32, #tpu.memory_space<vmem>>[vector<16xi32>, vector<16xi32>, vector<16xi32>], vector<16xi32>,
    %add3A_106 = arith.constant 0 : i32
    %add3A_107 = vector.broadcast %add3A_106 : i32 to vector<16xi32>
    %add3A_108 = arith.addi %iota3A, %add3A_107 : vector<16xi32>
    %broadcast_in_dim3A_109 = arith.constant 1 : i32
    %broadcast_in_dim3A_110 = vector.broadcast %broadcast_in_dim3A_109 : i32 to vector<16xi32>
    %gather3A_111 = tpu.vector_load_idx %arg5[%broadcast_in_dim3A_110, %add3A_108] : memref<104x128xi32, #tpu.memory_space<vmem>>[vector<16xi32>, vector<16xi32>], vector<16xi32>,
    %broadcast_in_dim3A_112 = arith.constant 0 : i32
    %broadcast_in_dim3A_113 = vector.broadcast %broadcast_in_dim3A_112 : i32 to vector<16xi32>
    %broadcast_in_dim3A_114 = arith.constant 1 : i32
    %broadcast_in_dim3A_115 = vector.broadcast %broadcast_in_dim3A_114 : i32 to vector<16xi32>
    %shift_right_logical3A_116 = arith.constant 3 : i32
    %shift_right_logical3A_117 = vector.broadcast %shift_right_logical3A_116 : i32 to vector<16xi32>
    %shift_right_logical3A_118 = arith.shrui %gather3A_111, %shift_right_logical3A_117 : vector<16xi32>
    tpu.vector_store_idx %arg6[%broadcast_in_dim3A_113, %broadcast_in_dim3A_115, %add3A_108], %shift_right_logical3A_118 : memref<2x2x128xi32, #tpu.memory_space<vmem>>[vector<16xi32>, vector<16xi32>, vector<16xi32>], vector<16xi32>,
    %add3A_119 = arith.constant 16 : i32
    %add3A_120 = vector.broadcast %add3A_119 : i32 to vector<16xi32>
    %add3A_121 = arith.addi %iota3A, %add3A_120 : vector<16xi32>
    %broadcast_in_dim3A_122 = arith.constant 1 : i32
    %broadcast_in_dim3A_123 = vector.broadcast %broadcast_in_dim3A_122 : i32 to vector<16xi32>
    %gather3A_124 = tpu.vector_load_idx %arg5[%broadcast_in_dim3A_123, %add3A_121] : memref<104x128xi32, #tpu.memory_space<vmem>>[vector<16xi32>, vector<16xi32>], vector<16xi32>,
    %broadcast_in_dim3A_125 = arith.constant 0 : i32
    %broadcast_in_dim3A_126 = vector.broadcast %broadcast_in_dim3A_125 : i32 to vector<16xi32>
    %broadcast_in_dim3A_127 = arith.constant 1 : i32
    %broadcast_in_dim3A_128 = vector.broadcast %broadcast_in_dim3A_127 : i32 to vector<16xi32>
    %shift_right_logical3A_129 = arith.constant 3 : i32
    %shift_right_logical3A_130 = vector.broadcast %shift_right_logical3A_129 : i32 to vector<16xi32>
    %shift_right_logical3A_131 = arith.shrui %gather3A_124, %shift_right_logical3A_130 : vector<16xi32>
    tpu.vector_store_idx %arg6[%broadcast_in_dim3A_126, %broadcast_in_dim3A_128, %add3A_121], %shift_right_logical3A_131 : memref<2x2x128xi32, #tpu.memory_space<vmem>>[vector<16xi32>, vector<16xi32>, vector<16xi32>], vector<16xi32>,
    %add3A_132 = arith.constant 32 : i32
    %add3A_133 = vector.broadcast %add3A_132 : i32 to vector<16xi32>
    %add3A_134 = arith.addi %iota3A, %add3A_133 : vector<16xi32>
    %broadcast_in_dim3A_135 = arith.constant 1 : i32
    %broadcast_in_dim3A_136 = vector.broadcast %broadcast_in_dim3A_135 : i32 to vector<16xi32>
    %gather3A_137 = tpu.vector_load_idx %arg5[%broadcast_in_dim3A_136, %add3A_134] : memref<104x128xi32, #tpu.memory_space<vmem>>[vector<16xi32>, vector<16xi32>], vector<16xi32>,
    %broadcast_in_dim3A_138 = arith.constant 0 : i32
    %broadcast_in_dim3A_139 = vector.broadcast %broadcast_in_dim3A_138 : i32 to vector<16xi32>
    %broadcast_in_dim3A_140 = arith.constant 1 : i32
    %broadcast_in_dim3A_141 = vector.broadcast %broadcast_in_dim3A_140 : i32 to vector<16xi32>
    %shift_right_logical3A_142 = arith.constant 3 : i32
    %shift_right_logical3A_143 = vector.broadcast %shift_right_logical3A_142 : i32 to vector<16xi32>
    %shift_right_logical3A_144 = arith.shrui %gather3A_137, %shift_right_logical3A_143 : vector<16xi32>
    tpu.vector_store_idx %arg6[%broadcast_in_dim3A_139, %broadcast_in_dim3A_141, %add3A_134], %shift_right_logical3A_144 : memref<2x2x128xi32, #tpu.memory_space<vmem>>[vector<16xi32>, vector<16xi32>, vector<16xi32>], vector<16xi32>,
    %add3A_145 = arith.constant 48 : i32
    %add3A_146 = vector.broadcast %add3A_145 : i32 to vector<16xi32>
    %add3A_147 = arith.addi %iota3A, %add3A_146 : vector<16xi32>
    %broadcast_in_dim3A_148 = arith.constant 1 : i32
    %broadcast_in_dim3A_149 = vector.broadcast %broadcast_in_dim3A_148 : i32 to vector<16xi32>
    %gather3A_150 = tpu.vector_load_idx %arg5[%broadcast_in_dim3A_149, %add3A_147] : memref<104x128xi32, #tpu.memory_space<vmem>>[vector<16xi32>, vector<16xi32>], vector<16xi32>,
    %broadcast_in_dim3A_151 = arith.constant 0 : i32
    %broadcast_in_dim3A_152 = vector.broadcast %broadcast_in_dim3A_151 : i32 to vector<16xi32>
    %broadcast_in_dim3A_153 = arith.constant 1 : i32
    %broadcast_in_dim3A_154 = vector.broadcast %broadcast_in_dim3A_153 : i32 to vector<16xi32>
    %shift_right_logical3A_155 = arith.constant 3 : i32
    %shift_right_logical3A_156 = vector.broadcast %shift_right_logical3A_155 : i32 to vector<16xi32>
    %shift_right_logical3A_157 = arith.shrui %gather3A_150, %shift_right_logical3A_156 : vector<16xi32>
    tpu.vector_store_idx %arg6[%broadcast_in_dim3A_152, %broadcast_in_dim3A_154, %add3A_147], %shift_right_logical3A_157 : memref<2x2x128xi32, #tpu.memory_space<vmem>>[vector<16xi32>, vector<16xi32>, vector<16xi32>], vector<16xi32>,
    %add3A_158 = arith.constant 64 : i32
    %add3A_159 = vector.broadcast %add3A_158 : i32 to vector<16xi32>
    %add3A_160 = arith.addi %iota3A, %add3A_159 : vector<16xi32>
    %broadcast_in_dim3A_161 = arith.constant 1 : i32
    %broadcast_in_dim3A_162 = vector.broadcast %broadcast_in_dim3A_161 : i32 to vector<16xi32>
    %gather3A_163 = tpu.vector_load_idx %arg5[%broadcast_in_dim3A_162, %add3A_160] : memref<104x128xi32, #tpu.memory_space<vmem>>[vector<16xi32>, vector<16xi32>], vector<16xi32>,
    %broadcast_in_dim3A_164 = arith.constant 0 : i32
    %broadcast_in_dim3A_165 = vector.broadcast %broadcast_in_dim3A_164 : i32 to vector<16xi32>
    %broadcast_in_dim3A_166 = arith.constant 1 : i32
    %broadcast_in_dim3A_167 = vector.broadcast %broadcast_in_dim3A_166 : i32 to vector<16xi32>
    %shift_right_logical3A_168 = arith.constant 3 : i32
    %shift_right_logical3A_169 = vector.broadcast %shift_right_logical3A_168 : i32 to vector<16xi32>
    %shift_right_logical3A_170 = arith.shrui %gather3A_163, %shift_right_logical3A_169 : vector<16xi32>
    tpu.vector_store_idx %arg6[%broadcast_in_dim3A_165, %broadcast_in_dim3A_167, %add3A_160], %shift_right_logical3A_170 : memref<2x2x128xi32, #tpu.memory_space<vmem>>[vector<16xi32>, vector<16xi32>, vector<16xi32>], vector<16xi32>,
    %add3A_171 = arith.constant 80 : i32
    %add3A_172 = vector.broadcast %add3A_171 : i32 to vector<16xi32>
    %add3A_173 = arith.addi %iota3A, %add3A_172 : vector<16xi32>
    %broadcast_in_dim3A_174 = arith.constant 1 : i32
    %broadcast_in_dim3A_175 = vector.broadcast %broadcast_in_dim3A_174 : i32 to vector<16xi32>
    %gather3A_176 = tpu.vector_load_idx %arg5[%broadcast_in_dim3A_175, %add3A_173] : memref<104x128xi32, #tpu.memory_space<vmem>>[vector<16xi32>, vector<16xi32>], vector<16xi32>,
    %broadcast_in_dim3A_177 = arith.constant 0 : i32
    %broadcast_in_dim3A_178 = vector.broadcast %broadcast_in_dim3A_177 : i32 to vector<16xi32>
    %broadcast_in_dim3A_179 = arith.constant 1 : i32
    %broadcast_in_dim3A_180 = vector.broadcast %broadcast_in_dim3A_179 : i32 to vector<16xi32>
    %shift_right_logical3A_181 = arith.constant 3 : i32
    %shift_right_logical3A_182 = vector.broadcast %shift_right_logical3A_181 : i32 to vector<16xi32>
    %shift_right_logical3A_183 = arith.shrui %gather3A_176, %shift_right_logical3A_182 : vector<16xi32>
    tpu.vector_store_idx %arg6[%broadcast_in_dim3A_178, %broadcast_in_dim3A_180, %add3A_173], %shift_right_logical3A_183 : memref<2x2x128xi32, #tpu.memory_space<vmem>>[vector<16xi32>, vector<16xi32>, vector<16xi32>], vector<16xi32>,
    %add3A_184 = arith.constant 96 : i32
    %add3A_185 = vector.broadcast %add3A_184 : i32 to vector<16xi32>
    %add3A_186 = arith.addi %iota3A, %add3A_185 : vector<16xi32>
    %broadcast_in_dim3A_187 = arith.constant 1 : i32
    %broadcast_in_dim3A_188 = vector.broadcast %broadcast_in_dim3A_187 : i32 to vector<16xi32>
    %gather3A_189 = tpu.vector_load_idx %arg5[%broadcast_in_dim3A_188, %add3A_186] : memref<104x128xi32, #tpu.memory_space<vmem>>[vector<16xi32>, vector<16xi32>], vector<16xi32>,
    %broadcast_in_dim3A_190 = arith.constant 0 : i32
    %broadcast_in_dim3A_191 = vector.broadcast %broadcast_in_dim3A_190 : i32 to vector<16xi32>
    %broadcast_in_dim3A_192 = arith.constant 1 : i32
    %broadcast_in_dim3A_193 = vector.broadcast %broadcast_in_dim3A_192 : i32 to vector<16xi32>
    %shift_right_logical3A_194 = arith.constant 3 : i32
    %shift_right_logical3A_195 = vector.broadcast %shift_right_logical3A_194 : i32 to vector<16xi32>
    %shift_right_logical3A_196 = arith.shrui %gather3A_189, %shift_right_logical3A_195 : vector<16xi32>
    tpu.vector_store_idx %arg6[%broadcast_in_dim3A_191, %broadcast_in_dim3A_193, %add3A_186], %shift_right_logical3A_196 : memref<2x2x128xi32, #tpu.memory_space<vmem>>[vector<16xi32>, vector<16xi32>, vector<16xi32>], vector<16xi32>,
    %add3A_197 = arith.constant 112 : i32
    %add3A_198 = vector.broadcast %add3A_197 : i32 to vector<16xi32>
    %add3A_199 = arith.addi %iota3A, %add3A_198 : vector<16xi32>
    %broadcast_in_dim3A_200 = arith.constant 1 : i32
    %broadcast_in_dim3A_201 = vector.broadcast %broadcast_in_dim3A_200 : i32 to vector<16xi32>
    %gather3A_202 = tpu.vector_load_idx %arg5[%broadcast_in_dim3A_201, %add3A_199] : memref<104x128xi32, #tpu.memory_space<vmem>>[vector<16xi32>, vector<16xi32>], vector<16xi32>,
    %broadcast_in_dim3A_203 = arith.constant 0 : i32
    %broadcast_in_dim3A_204 = vector.broadcast %broadcast_in_dim3A_203 : i32 to vector<16xi32>
    %broadcast_in_dim3A_205 = arith.constant 1 : i32
    %broadcast_in_dim3A_206 = vector.broadcast %broadcast_in_dim3A_205 : i32 to vector<16xi32>
    %shift_right_logical3A_207 = arith.constant 3 : i32
    %shift_right_logical3A_208 = vector.broadcast %shift_right_logical3A_207 : i32 to vector<16xi32>
    %shift_right_logical3A_209 = arith.shrui %gather3A_202, %shift_right_logical3A_208 : vector<16xi32>
    tpu.vector_store_idx %arg6[%broadcast_in_dim3A_204, %broadcast_in_dim3A_206, %add3A_199], %shift_right_logical3A_209 : memref<2x2x128xi32, #tpu.memory_space<vmem>>[vector<16xi32>, vector<16xi32>, vector<16xi32>], vector<16xi32>,
    %dma_start3A = arith.constant 0 : i32
    %dma_start3A_210 = arith.constant 0 : i32
    %dma_start3A_211 = arith.constant 0 : i32
    %dma_start3A_212 = arith.constant 0 : i32
    %dma_start3A_213 = arith.constant 0 : i32
    %dma_start3A_214 = tpu.memref_slice %arg7[%dma_start3A_211, %dma_start3A_212, %dma_start3A_213] : memref<2x256x128xf32, #tpu.memory_space<vmem>> -> memref<1x128x128xf32, #tpu.memory_space<vmem>>
    %dma_start3A_215 = tpu.memref_squeeze %dma_start3A_214 : memref<1x128x128xf32, #tpu.memory_space<vmem>> -> memref<128x128xf32, #tpu.memory_space<vmem>>
    %dma_start3A_216 = arith.constant 0 : i32
    %dma_start3A_217 = tpu.memref_slice %arg6[%dma_start3A, %dma_start3A_210, %dma_start3A_216] : memref<2x2x128xi32, #tpu.memory_space<vmem>> -> memref<1x1x128xi32, #tpu.memory_space<vmem>>
    %dma_start3A_218 = tpu.memref_squeeze %dma_start3A_217 : memref<1x1x128xi32, #tpu.memory_space<vmem>> -> memref<128xi32, #tpu.memory_space<vmem>>
    %dma_start3A_219 = arith.constant 0 : i32
    %dma_start3A_220 = arith.constant 0 : i32
    %dma_start3A_221 = tpu.memref_slice %arg3[%dma_start3A_219, %dma_start3A_220] : memref<125000x128xf32, #tpu.memory_space<hbm>> -> memref<125000x128xf32, #tpu.memory_space<hbm>>
    tpu.enqueue_indirect_dma source(%dma_start3A_221 : memref<125000x128xf32, #tpu.memory_space<hbm>>) target(%dma_start3A_215 : memref<128x128xf32, #tpu.memory_space<vmem>>) offsets(%dma_start3A_218 : memref<128xi32, #tpu.memory_space<vmem>>) semaphore(%arg9 : memref<!tpu.dma_semaphore, #tpu.memory_space<semaphore_mem>>)
    %dma_start3A_222 = arith.constant 0 : i32
    %dma_start3A_223 = arith.constant 1 : i32
    %dma_start3A_224 = arith.constant 0 : i32
    %dma_start3A_225 = arith.constant 128 : i32
    %dma_start3A_226 = arith.constant 0 : i32
    %dma_start3A_227 = tpu.memref_slice %arg7[%dma_start3A_224, %dma_start3A_225, %dma_start3A_226] : memref<2x256x128xf32, #tpu.memory_space<vmem>> -> memref<1x128x128xf32, #tpu.memory_space<vmem>>
    %dma_start3A_228 = tpu.memref_squeeze %dma_start3A_227 : memref<1x128x128xf32, #tpu.memory_space<vmem>> -> memref<128x128xf32, #tpu.memory_space<vmem>>
    %dma_start3A_229 = arith.constant 0 : i32
    %dma_start3A_230 = tpu.memref_slice %arg6[%dma_start3A_222, %dma_start3A_223, %dma_start3A_229] : memref<2x2x128xi32, #tpu.memory_space<vmem>> -> memref<1x1x128xi32, #tpu.memory_space<vmem>>
    %dma_start3A_231 = tpu.memref_squeeze %dma_start3A_230 : memref<1x1x128xi32, #tpu.memory_space<vmem>> -> memref<128xi32, #tpu.memory_space<vmem>>
    %dma_start3A_232 = arith.constant 0 : i32
    %dma_start3A_233 = arith.constant 0 : i32
    %dma_start3A_234 = tpu.memref_slice %arg3[%dma_start3A_232, %dma_start3A_233] : memref<125000x128xf32, #tpu.memory_space<hbm>> -> memref<125000x128xf32, #tpu.memory_space<hbm>>
    tpu.enqueue_indirect_dma source(%dma_start3A_234 : memref<125000x128xf32, #tpu.memory_space<hbm>>) target(%dma_start3A_228 : memref<128x128xf32, #tpu.memory_space<vmem>>) offsets(%dma_start3A_231 : memref<128xi32, #tpu.memory_space<vmem>>) semaphore(%arg9 : memref<!tpu.dma_semaphore, #tpu.memory_space<semaphore_mem>>)
    %scan3A = arith.constant 0 : i32
    %scan3A_235 = arith.constant 0 : i32
    %scan3A_236 = arith.constant 52 : i32
    %scan3A_237 = arith.addi %scan3A_235, %scan3A_236 : i32
    %scan3A_238 = arith.constant 1 : i32
    scf.for %scan3A_269 = %scan3A_235 to %scan3A_237 step %scan3A_238  : i32 {
      %rem3A = arith.constant 2 : i32
      %rem3A_270 = arith.remsi %scan3A_269, %rem3A : i32
      %add3A_271 = arith.constant 1 : i32
      %add3A_272 = arith.addi %scan3A_269, %add3A_271 : i32
      %lt3A = arith.constant 52 : i32
      %lt3A_273 = arith.cmpi slt, %add3A_272, %lt3A : i32
      %convert_element_type3A = arith.extui %lt3A_273 : i1 to i32
      %cond3A = arith.constant 0 : i32
      %cond3A_274 = arith.cmpi ne, %convert_element_type3A, %cond3A : i32
      scf.if %cond3A_274 {
        %add3A_322 = arith.constant 1 : i32
        %add3A_323 = arith.addi %scan3A_269, %add3A_322 : i32
        %sub3A = arith.constant 1 : i32
        %sub3A_324 = arith.subi %sub3A, %rem3A_270 : i32
        %mul3A_325 = arith.constant 2 : i32
        %mul3A_326 = arith.muli %add3A_323, %mul3A_325 : i32
        %add3A_327 = arith.constant 0 : i32
        %add3A_328 = arith.addi %mul3A_326, %add3A_327 : i32
        %add3A_329 = arith.constant 0 : i32
        %add3A_330 = vector.broadcast %add3A_329 : i32 to vector<16xi32>
        %add3A_331 = arith.addi %iota3A, %add3A_330 : vector<16xi32>
        %broadcast_in_dim3A_332 = vector.broadcast %add3A_328 : i32 to vector<16xi32>
        %gather3A_333 = tpu.vector_load_idx %arg5[%broadcast_in_dim3A_332, %add3A_331] : memref<104x128xi32, #tpu.memory_space<vmem>>[vector<16xi32>, vector<16xi32>], vector<16xi32>,
        %broadcast_in_dim3A_334 = vector.broadcast %sub3A_324 : i32 to vector<16xi32>
        %broadcast_in_dim3A_335 = arith.constant 0 : i32
        %broadcast_in_dim3A_336 = vector.broadcast %broadcast_in_dim3A_335 : i32 to vector<16xi32>
        %shift_right_logical3A_337 = arith.constant 3 : i32
        %shift_right_logical3A_338 = vector.broadcast %shift_right_logical3A_337 : i32 to vector<16xi32>
        %shift_right_logical3A_339 = arith.shrui %gather3A_333, %shift_right_logical3A_338 : vector<16xi32>
        tpu.vector_store_idx %arg6[%broadcast_in_dim3A_334, %broadcast_in_dim3A_336, %add3A_331], %shift_right_logical3A_339 : memref<2x2x128xi32, #tpu.memory_space<vmem>>[vector<16xi32>, vector<16xi32>, vector<16xi32>], vector<16xi32>,
        %add3A_340 = arith.constant 16 : i32
        %add3A_341 = vector.broadcast %add3A_340 : i32 to vector<16xi32>
        %add3A_342 = arith.addi %iota3A, %add3A_341 : vector<16xi32>
        %broadcast_in_dim3A_343 = vector.broadcast %add3A_328 : i32 to vector<16xi32>
        %gather3A_344 = tpu.vector_load_idx %arg5[%broadcast_in_dim3A_343, %add3A_342] : memref<104x128xi32, #tpu.memory_space<vmem>>[vector<16xi32>, vector<16xi32>], vector<16xi32>,
        %broadcast_in_dim3A_345 = vector.broadcast %sub3A_324 : i32 to vector<16xi32>
        %broadcast_in_dim3A_346 = arith.constant 0 : i32
        %broadcast_in_dim3A_347 = vector.broadcast %broadcast_in_dim3A_346 : i32 to vector<16xi32>
        %shift_right_logical3A_348 = arith.constant 3 : i32
        %shift_right_logical3A_349 = vector.broadcast %shift_right_logical3A_348 : i32 to vector<16xi32>
        %shift_right_logical3A_350 = arith.shrui %gather3A_344, %shift_right_logical3A_349 : vector<16xi32>
        tpu.vector_store_idx %arg6[%broadcast_in_dim3A_345, %broadcast_in_dim3A_347, %add3A_342], %shift_right_logical3A_350 : memref<2x2x128xi32, #tpu.memory_space<vmem>>[vector<16xi32>, vector<16xi32>, vector<16xi32>], vector<16xi32>,
        %add3A_351 = arith.constant 32 : i32
        %add3A_352 = vector.broadcast %add3A_351 : i32 to vector<16xi32>
        %add3A_353 = arith.addi %iota3A, %add3A_352 : vector<16xi32>
        %broadcast_in_dim3A_354 = vector.broadcast %add3A_328 : i32 to vector<16xi32>
        %gather3A_355 = tpu.vector_load_idx %arg5[%broadcast_in_dim3A_354, %add3A_353] : memref<104x128xi32, #tpu.memory_space<vmem>>[vector<16xi32>, vector<16xi32>], vector<16xi32>,
        %broadcast_in_dim3A_356 = vector.broadcast %sub3A_324 : i32 to vector<16xi32>
        %broadcast_in_dim3A_357 = arith.constant 0 : i32
        %broadcast_in_dim3A_358 = vector.broadcast %broadcast_in_dim3A_357 : i32 to vector<16xi32>
        %shift_right_logical3A_359 = arith.constant 3 : i32
        %shift_right_logical3A_360 = vector.broadcast %shift_right_logical3A_359 : i32 to vector<16xi32>
        %shift_right_logical3A_361 = arith.shrui %gather3A_355, %shift_right_logical3A_360 : vector<16xi32>
        tpu.vector_store_idx %arg6[%broadcast_in_dim3A_356, %broadcast_in_dim3A_358, %add3A_353], %shift_right_logical3A_361 : memref<2x2x128xi32, #tpu.memory_space<vmem>>[vector<16xi32>, vector<16xi32>, vector<16xi32>], vector<16xi32>,
        %add3A_362 = arith.constant 48 : i32
        %add3A_363 = vector.broadcast %add3A_362 : i32 to vector<16xi32>
        %add3A_364 = arith.addi %iota3A, %add3A_363 : vector<16xi32>
        %broadcast_in_dim3A_365 = vector.broadcast %add3A_328 : i32 to vector<16xi32>
        %gather3A_366 = tpu.vector_load_idx %arg5[%broadcast_in_dim3A_365, %add3A_364] : memref<104x128xi32, #tpu.memory_space<vmem>>[vector<16xi32>, vector<16xi32>], vector<16xi32>,
        %broadcast_in_dim3A_367 = vector.broadcast %sub3A_324 : i32 to vector<16xi32>
        %broadcast_in_dim3A_368 = arith.constant 0 : i32
        %broadcast_in_dim3A_369 = vector.broadcast %broadcast_in_dim3A_368 : i32 to vector<16xi32>
        %shift_right_logical3A_370 = arith.constant 3 : i32
        %shift_right_logical3A_371 = vector.broadcast %shift_right_logical3A_370 : i32 to vector<16xi32>
        %shift_right_logical3A_372 = arith.shrui %gather3A_366, %shift_right_logical3A_371 : vector<16xi32>
        tpu.vector_store_idx %arg6[%broadcast_in_dim3A_367, %broadcast_in_dim3A_369, %add3A_364], %shift_right_logical3A_372 : memref<2x2x128xi32, #tpu.memory_space<vmem>>[vector<16xi32>, vector<16xi32>, vector<16xi32>], vector<16xi32>,
        %add3A_373 = arith.constant 64 : i32
        %add3A_374 = vector.broadcast %add3A_373 : i32 to vector<16xi32>
        %add3A_375 = arith.addi %iota3A, %add3A_374 : vector<16xi32>
        %broadcast_in_dim3A_376 = vector.broadcast %add3A_328 : i32 to vector<16xi32>
        %gather3A_377 = tpu.vector_load_idx %arg5[%broadcast_in_dim3A_376, %add3A_375] : memref<104x128xi32, #tpu.memory_space<vmem>>[vector<16xi32>, vector<16xi32>], vector<16xi32>,
        %broadcast_in_dim3A_378 = vector.broadcast %sub3A_324 : i32 to vector<16xi32>
        %broadcast_in_dim3A_379 = arith.constant 0 : i32
        %broadcast_in_dim3A_380 = vector.broadcast %broadcast_in_dim3A_379 : i32 to vector<16xi32>
        %shift_right_logical3A_381 = arith.constant 3 : i32
        %shift_right_logical3A_382 = vector.broadcast %shift_right_logical3A_381 : i32 to vector<16xi32>
        %shift_right_logical3A_383 = arith.shrui %gather3A_377, %shift_right_logical3A_382 : vector<16xi32>
        tpu.vector_store_idx %arg6[%broadcast_in_dim3A_378, %broadcast_in_dim3A_380, %add3A_375], %shift_right_logical3A_383 : memref<2x2x128xi32, #tpu.memory_space<vmem>>[vector<16xi32>, vector<16xi32>, vector<16xi32>], vector<16xi32>,
        %add3A_384 = arith.constant 80 : i32
        %add3A_385 = vector.broadcast %add3A_384 : i32 to vector<16xi32>
        %add3A_386 = arith.addi %iota3A, %add3A_385 : vector<16xi32>
        %broadcast_in_dim3A_387 = vector.broadcast %add3A_328 : i32 to vector<16xi32>
        %gather3A_388 = tpu.vector_load_idx %arg5[%broadcast_in_dim3A_387, %add3A_386] : memref<104x128xi32, #tpu.memory_space<vmem>>[vector<16xi32>, vector<16xi32>], vector<16xi32>,
        %broadcast_in_dim3A_389 = vector.broadcast %sub3A_324 : i32 to vector<16xi32>
        %broadcast_in_dim3A_390 = arith.constant 0 : i32
        %broadcast_in_dim3A_391 = vector.broadcast %broadcast_in_dim3A_390 : i32 to vector<16xi32>
        %shift_right_logical3A_392 = arith.constant 3 : i32
        %shift_right_logical3A_393 = vector.broadcast %shift_right_logical3A_392 : i32 to vector<16xi32>
        %shift_right_logical3A_394 = arith.shrui %gather3A_388, %shift_right_logical3A_393 : vector<16xi32>
        tpu.vector_store_idx %arg6[%broadcast_in_dim3A_389, %broadcast_in_dim3A_391, %add3A_386], %shift_right_logical3A_394 : memref<2x2x128xi32, #tpu.memory_space<vmem>>[vector<16xi32>, vector<16xi32>, vector<16xi32>], vector<16xi32>,
        %add3A_395 = arith.constant 96 : i32
        %add3A_396 = vector.broadcast %add3A_395 : i32 to vector<16xi32>
        %add3A_397 = arith.addi %iota3A, %add3A_396 : vector<16xi32>
        %broadcast_in_dim3A_398 = vector.broadcast %add3A_328 : i32 to vector<16xi32>
        %gather3A_399 = tpu.vector_load_idx %arg5[%broadcast_in_dim3A_398, %add3A_397] : memref<104x128xi32, #tpu.memory_space<vmem>>[vector<16xi32>, vector<16xi32>], vector<16xi32>,
        %broadcast_in_dim3A_400 = vector.broadcast %sub3A_324 : i32 to vector<16xi32>
        %broadcast_in_dim3A_401 = arith.constant 0 : i32
        %broadcast_in_dim3A_402 = vector.broadcast %broadcast_in_dim3A_401 : i32 to vector<16xi32>
        %shift_right_logical3A_403 = arith.constant 3 : i32
        %shift_right_logical3A_404 = vector.broadcast %shift_right_logical3A_403 : i32 to vector<16xi32>
        %shift_right_logical3A_405 = arith.shrui %gather3A_399, %shift_right_logical3A_404 : vector<16xi32>
        tpu.vector_store_idx %arg6[%broadcast_in_dim3A_400, %broadcast_in_dim3A_402, %add3A_397], %shift_right_logical3A_405 : memref<2x2x128xi32, #tpu.memory_space<vmem>>[vector<16xi32>, vector<16xi32>, vector<16xi32>], vector<16xi32>,
        %add3A_406 = arith.constant 112 : i32
        %add3A_407 = vector.broadcast %add3A_406 : i32 to vector<16xi32>
        %add3A_408 = arith.addi %iota3A, %add3A_407 : vector<16xi32>
        %broadcast_in_dim3A_409 = vector.broadcast %add3A_328 : i32 to vector<16xi32>
        %gather3A_410 = tpu.vector_load_idx %arg5[%broadcast_in_dim3A_409, %add3A_408] : memref<104x128xi32, #tpu.memory_space<vmem>>[vector<16xi32>, vector<16xi32>], vector<16xi32>,
        %broadcast_in_dim3A_411 = vector.broadcast %sub3A_324 : i32 to vector<16xi32>
        %broadcast_in_dim3A_412 = arith.constant 0 : i32
        %broadcast_in_dim3A_413 = vector.broadcast %broadcast_in_dim3A_412 : i32 to vector<16xi32>
        %shift_right_logical3A_414 = arith.constant 3 : i32
        %shift_right_logical3A_415 = vector.broadcast %shift_right_logical3A_414 : i32 to vector<16xi32>
        %shift_right_logical3A_416 = arith.shrui %gather3A_410, %shift_right_logical3A_415 : vector<16xi32>
        tpu.vector_store_idx %arg6[%broadcast_in_dim3A_411, %broadcast_in_dim3A_413, %add3A_408], %shift_right_logical3A_416 : memref<2x2x128xi32, #tpu.memory_space<vmem>>[vector<16xi32>, vector<16xi32>, vector<16xi32>], vector<16xi32>,
        %mul3A_417 = arith.constant 2 : i32
        %mul3A_418 = arith.muli %add3A_323, %mul3A_417 : i32
        %add3A_419 = arith.constant 1 : i32
        %add3A_420 = arith.addi %mul3A_418, %add3A_419 : i32
        %add3A_421 = arith.constant 0 : i32
        %add3A_422 = vector.broadcast %add3A_421 : i32 to vector<16xi32>
        %add3A_423 = arith.addi %iota3A, %add3A_422 : vector<16xi32>
        %broadcast_in_dim3A_424 = vector.broadcast %add3A_420 : i32 to vector<16xi32>
        %gather3A_425 = tpu.vector_load_idx %arg5[%broadcast_in_dim3A_424, %add3A_423] : memref<104x128xi32, #tpu.memory_space<vmem>>[vector<16xi32>, vector<16xi32>], vector<16xi32>,
        %broadcast_in_dim3A_426 = vector.broadcast %sub3A_324 : i32 to vector<16xi32>
        %broadcast_in_dim3A_427 = arith.constant 1 : i32
        %broadcast_in_dim3A_428 = vector.broadcast %broadcast_in_dim3A_427 : i32 to vector<16xi32>
        %shift_right_logical3A_429 = arith.constant 3 : i32
        %shift_right_logical3A_430 = vector.broadcast %shift_right_logical3A_429 : i32 to vector<16xi32>
        %shift_right_logical3A_431 = arith.shrui %gather3A_425, %shift_right_logical3A_430 : vector<16xi32>
        tpu.vector_store_idx %arg6[%broadcast_in_dim3A_426, %broadcast_in_dim3A_428, %add3A_423], %shift_right_logical3A_431 : memref<2x2x128xi32, #tpu.memory_space<vmem>>[vector<16xi32>, vector<16xi32>, vector<16xi32>], vector<16xi32>,
        %add3A_432 = arith.constant 16 : i32
        %add3A_433 = vector.broadcast %add3A_432 : i32 to vector<16xi32>
        %add3A_434 = arith.addi %iota3A, %add3A_433 : vector<16xi32>
        %broadcast_in_dim3A_435 = vector.broadcast %add3A_420 : i32 to vector<16xi32>
        %gather3A_436 = tpu.vector_load_idx %arg5[%broadcast_in_dim3A_435, %add3A_434] : memref<104x128xi32, #tpu.memory_space<vmem>>[vector<16xi32>, vector<16xi32>], vector<16xi32>,
        %broadcast_in_dim3A_437 = vector.broadcast %sub3A_324 : i32 to vector<16xi32>
        %broadcast_in_dim3A_438 = arith.constant 1 : i32
        %broadcast_in_dim3A_439 = vector.broadcast %broadcast_in_dim3A_438 : i32 to vector<16xi32>
        %shift_right_logical3A_440 = arith.constant 3 : i32
        %shift_right_logical3A_441 = vector.broadcast %shift_right_logical3A_440 : i32 to vector<16xi32>
        %shift_right_logical3A_442 = arith.shrui %gather3A_436, %shift_right_logical3A_441 : vector<16xi32>
        tpu.vector_store_idx %arg6[%broadcast_in_dim3A_437, %broadcast_in_dim3A_439, %add3A_434], %shift_right_logical3A_442 : memref<2x2x128xi32, #tpu.memory_space<vmem>>[vector<16xi32>, vector<16xi32>, vector<16xi32>], vector<16xi32>,
        %add3A_443 = arith.constant 32 : i32
        %add3A_444 = vector.broadcast %add3A_443 : i32 to vector<16xi32>
        %add3A_445 = arith.addi %iota3A, %add3A_444 : vector<16xi32>
        %broadcast_in_dim3A_446 = vector.broadcast %add3A_420 : i32 to vector<16xi32>
        %gather3A_447 = tpu.vector_load_idx %arg5[%broadcast_in_dim3A_446, %add3A_445] : memref<104x128xi32, #tpu.memory_space<vmem>>[vector<16xi32>, vector<16xi32>], vector<16xi32>,
        %broadcast_in_dim3A_448 = vector.broadcast %sub3A_324 : i32 to vector<16xi32>
        %broadcast_in_dim3A_449 = arith.constant 1 : i32
        %broadcast_in_dim3A_450 = vector.broadcast %broadcast_in_dim3A_449 : i32 to vector<16xi32>
        %shift_right_logical3A_451 = arith.constant 3 : i32
        %shift_right_logical3A_452 = vector.broadcast %shift_right_logical3A_451 : i32 to vector<16xi32>
        %shift_right_logical3A_453 = arith.shrui %gather3A_447, %shift_right_logical3A_452 : vector<16xi32>
        tpu.vector_store_idx %arg6[%broadcast_in_dim3A_448, %broadcast_in_dim3A_450, %add3A_445], %shift_right_logical3A_453 : memref<2x2x128xi32, #tpu.memory_space<vmem>>[vector<16xi32>, vector<16xi32>, vector<16xi32>], vector<16xi32>,
        %add3A_454 = arith.constant 48 : i32
        %add3A_455 = vector.broadcast %add3A_454 : i32 to vector<16xi32>
        %add3A_456 = arith.addi %iota3A, %add3A_455 : vector<16xi32>
        %broadcast_in_dim3A_457 = vector.broadcast %add3A_420 : i32 to vector<16xi32>
        %gather3A_458 = tpu.vector_load_idx %arg5[%broadcast_in_dim3A_457, %add3A_456] : memref<104x128xi32, #tpu.memory_space<vmem>>[vector<16xi32>, vector<16xi32>], vector<16xi32>,
        %broadcast_in_dim3A_459 = vector.broadcast %sub3A_324 : i32 to vector<16xi32>
        %broadcast_in_dim3A_460 = arith.constant 1 : i32
        %broadcast_in_dim3A_461 = vector.broadcast %broadcast_in_dim3A_460 : i32 to vector<16xi32>
        %shift_right_logical3A_462 = arith.constant 3 : i32
        %shift_right_logical3A_463 = vector.broadcast %shift_right_logical3A_462 : i32 to vector<16xi32>
        %shift_right_logical3A_464 = arith.shrui %gather3A_458, %shift_right_logical3A_463 : vector<16xi32>
        tpu.vector_store_idx %arg6[%broadcast_in_dim3A_459, %broadcast_in_dim3A_461, %add3A_456], %shift_right_logical3A_464 : memref<2x2x128xi32, #tpu.memory_space<vmem>>[vector<16xi32>, vector<16xi32>, vector<16xi32>], vector<16xi32>,
        %add3A_465 = arith.constant 64 : i32
        %add3A_466 = vector.broadcast %add3A_465 : i32 to vector<16xi32>
        %add3A_467 = arith.addi %iota3A, %add3A_466 : vector<16xi32>
        %broadcast_in_dim3A_468 = vector.broadcast %add3A_420 : i32 to vector<16xi32>
        %gather3A_469 = tpu.vector_load_idx %arg5[%broadcast_in_dim3A_468, %add3A_467] : memref<104x128xi32, #tpu.memory_space<vmem>>[vector<16xi32>, vector<16xi32>], vector<16xi32>,
        %broadcast_in_dim3A_470 = vector.broadcast %sub3A_324 : i32 to vector<16xi32>
        %broadcast_in_dim3A_471 = arith.constant 1 : i32
        %broadcast_in_dim3A_472 = vector.broadcast %broadcast_in_dim3A_471 : i32 to vector<16xi32>
        %shift_right_logical3A_473 = arith.constant 3 : i32
        %shift_right_logical3A_474 = vector.broadcast %shift_right_logical3A_473 : i32 to vector<16xi32>
        %shift_right_logical3A_475 = arith.shrui %gather3A_469, %shift_right_logical3A_474 : vector<16xi32>
        tpu.vector_store_idx %arg6[%broadcast_in_dim3A_470, %broadcast_in_dim3A_472, %add3A_467], %shift_right_logical3A_475 : memref<2x2x128xi32, #tpu.memory_space<vmem>>[vector<16xi32>, vector<16xi32>, vector<16xi32>], vector<16xi32>,
        %add3A_476 = arith.constant 80 : i32
        %add3A_477 = vector.broadcast %add3A_476 : i32 to vector<16xi32>
        %add3A_478 = arith.addi %iota3A, %add3A_477 : vector<16xi32>
        %broadcast_in_dim3A_479 = vector.broadcast %add3A_420 : i32 to vector<16xi32>
        %gather3A_480 = tpu.vector_load_idx %arg5[%broadcast_in_dim3A_479, %add3A_478] : memref<104x128xi32, #tpu.memory_space<vmem>>[vector<16xi32>, vector<16xi32>], vector<16xi32>,
        %broadcast_in_dim3A_481 = vector.broadcast %sub3A_324 : i32 to vector<16xi32>
        %broadcast_in_dim3A_482 = arith.constant 1 : i32
        %broadcast_in_dim3A_483 = vector.broadcast %broadcast_in_dim3A_482 : i32 to vector<16xi32>
        %shift_right_logical3A_484 = arith.constant 3 : i32
        %shift_right_logical3A_485 = vector.broadcast %shift_right_logical3A_484 : i32 to vector<16xi32>
        %shift_right_logical3A_486 = arith.shrui %gather3A_480, %shift_right_logical3A_485 : vector<16xi32>
        tpu.vector_store_idx %arg6[%broadcast_in_dim3A_481, %broadcast_in_dim3A_483, %add3A_478], %shift_right_logical3A_486 : memref<2x2x128xi32, #tpu.memory_space<vmem>>[vector<16xi32>, vector<16xi32>, vector<16xi32>], vector<16xi32>,
        %add3A_487 = arith.constant 96 : i32
        %add3A_488 = vector.broadcast %add3A_487 : i32 to vector<16xi32>
        %add3A_489 = arith.addi %iota3A, %add3A_488 : vector<16xi32>
        %broadcast_in_dim3A_490 = vector.broadcast %add3A_420 : i32 to vector<16xi32>
        %gather3A_491 = tpu.vector_load_idx %arg5[%broadcast_in_dim3A_490, %add3A_489] : memref<104x128xi32, #tpu.memory_space<vmem>>[vector<16xi32>, vector<16xi32>], vector<16xi32>,
        %broadcast_in_dim3A_492 = vector.broadcast %sub3A_324 : i32 to vector<16xi32>
        %broadcast_in_dim3A_493 = arith.constant 1 : i32
        %broadcast_in_dim3A_494 = vector.broadcast %broadcast_in_dim3A_493 : i32 to vector<16xi32>
        %shift_right_logical3A_495 = arith.constant 3 : i32
        %shift_right_logical3A_496 = vector.broadcast %shift_right_logical3A_495 : i32 to vector<16xi32>
        %shift_right_logical3A_497 = arith.shrui %gather3A_491, %shift_right_logical3A_496 : vector<16xi32>
        tpu.vector_store_idx %arg6[%broadcast_in_dim3A_492, %broadcast_in_dim3A_494, %add3A_489], %shift_right_logical3A_497 : memref<2x2x128xi32, #tpu.memory_space<vmem>>[vector<16xi32>, vector<16xi32>, vector<16xi32>], vector<16xi32>,
        %add3A_498 = arith.constant 112 : i32
        %add3A_499 = vector.broadcast %add3A_498 : i32 to vector<16xi32>
        %add3A_500 = arith.addi %iota3A, %add3A_499 : vector<16xi32>
        %broadcast_in_dim3A_501 = vector.broadcast %add3A_420 : i32 to vector<16xi32>
        %gather3A_502 = tpu.vector_load_idx %arg5[%broadcast_in_dim3A_501, %add3A_500] : memref<104x128xi32, #tpu.memory_space<vmem>>[vector<16xi32>, vector<16xi32>], vector<16xi32>,
        %broadcast_in_dim3A_503 = vector.broadcast %sub3A_324 : i32 to vector<16xi32>
        %broadcast_in_dim3A_504 = arith.constant 1 : i32
        %broadcast_in_dim3A_505 = vector.broadcast %broadcast_in_dim3A_504 : i32 to vector<16xi32>
        %shift_right_logical3A_506 = arith.constant 3 : i32
        %shift_right_logical3A_507 = vector.broadcast %shift_right_logical3A_506 : i32 to vector<16xi32>
        %shift_right_logical3A_508 = arith.shrui %gather3A_502, %shift_right_logical3A_507 : vector<16xi32>
        tpu.vector_store_idx %arg6[%broadcast_in_dim3A_503, %broadcast_in_dim3A_505, %add3A_500], %shift_right_logical3A_508 : memref<2x2x128xi32, #tpu.memory_space<vmem>>[vector<16xi32>, vector<16xi32>, vector<16xi32>], vector<16xi32>,
        %sub3A_509 = arith.constant 1 : i32
        %sub3A_510 = arith.subi %sub3A_509, %rem3A_270 : i32
        %dma_start3A_511 = arith.constant 0 : i32
        %dma_start3A_512 = arith.constant 0 : i32
        %dma_start3A_513 = arith.constant 0 : i32
        %dma_start3A_514 = tpu.memref_slice %arg7[%sub3A_510, %dma_start3A_512, %dma_start3A_513] : memref<2x256x128xf32, #tpu.memory_space<vmem>> -> memref<1x128x128xf32, #tpu.memory_space<vmem>>
        %dma_start3A_515 = tpu.memref_squeeze %dma_start3A_514 : memref<1x128x128xf32, #tpu.memory_space<vmem>> -> memref<128x128xf32, #tpu.memory_space<vmem>>
        %dma_start3A_516 = arith.constant 0 : i32
        %dma_start3A_517 = tpu.memref_slice %arg6[%sub3A_510, %dma_start3A_511, %dma_start3A_516] : memref<2x2x128xi32, #tpu.memory_space<vmem>> -> memref<1x1x128xi32, #tpu.memory_space<vmem>>
        %dma_start3A_518 = tpu.memref_squeeze %dma_start3A_517 : memref<1x1x128xi32, #tpu.memory_space<vmem>> -> memref<128xi32, #tpu.memory_space<vmem>>
        %dma_start3A_519 = arith.constant 0 : i32
        %dma_start3A_520 = arith.constant 0 : i32
        %dma_start3A_521 = tpu.memref_slice %arg3[%dma_start3A_519, %dma_start3A_520] : memref<125000x128xf32, #tpu.memory_space<hbm>> -> memref<125000x128xf32, #tpu.memory_space<hbm>>
        tpu.enqueue_indirect_dma source(%dma_start3A_521 : memref<125000x128xf32, #tpu.memory_space<hbm>>) target(%dma_start3A_515 : memref<128x128xf32, #tpu.memory_space<vmem>>) offsets(%dma_start3A_518 : memref<128xi32, #tpu.memory_space<vmem>>) semaphore(%arg9 : memref<!tpu.dma_semaphore, #tpu.memory_space<semaphore_mem>>)
        %dma_start3A_522 = arith.constant 1 : i32
        %dma_start3A_523 = arith.constant 128 : i32
        %dma_start3A_524 = arith.constant 0 : i32
        %dma_start3A_525 = tpu.memref_slice %arg7[%sub3A_510, %dma_start3A_523, %dma_start3A_524] : memref<2x256x128xf32, #tpu.memory_space<vmem>> -> memref<1x128x128xf32, #tpu.memory_space<vmem>>
        %dma_start3A_526 = tpu.memref_squeeze %dma_start3A_525 : memref<1x128x128xf32, #tpu.memory_space<vmem>> -> memref<128x128xf32, #tpu.memory_space<vmem>>
        %dma_start3A_527 = arith.constant 0 : i32
        %dma_start3A_528 = tpu.memref_slice %arg6[%sub3A_510, %dma_start3A_522, %dma_start3A_527] : memref<2x2x128xi32, #tpu.memory_space<vmem>> -> memref<1x1x128xi32, #tpu.memory_space<vmem>>
        %dma_start3A_529 = tpu.memref_squeeze %dma_start3A_528 : memref<1x1x128xi32, #tpu.memory_space<vmem>> -> memref<128xi32, #tpu.memory_space<vmem>>
        %dma_start3A_530 = arith.constant 0 : i32
        %dma_start3A_531 = arith.constant 0 : i32
        %dma_start3A_532 = tpu.memref_slice %arg3[%dma_start3A_530, %dma_start3A_531] : memref<125000x128xf32, #tpu.memory_space<hbm>> -> memref<125000x128xf32, #tpu.memory_space<hbm>>
        tpu.enqueue_indirect_dma source(%dma_start3A_532 : memref<125000x128xf32, #tpu.memory_space<hbm>>) target(%dma_start3A_526 : memref<128x128xf32, #tpu.memory_space<vmem>>) offsets(%dma_start3A_529 : memref<128xi32, #tpu.memory_space<vmem>>) semaphore(%arg9 : memref<!tpu.dma_semaphore, #tpu.memory_space<semaphore_mem>>)
      } else {
      }
      %dma_wait3A_275 = arith.constant 0 : i32
      %dma_wait3A_276 = arith.constant 0 : i32
      %dma_wait3A_277 = arith.constant 0 : i32
      %dma_wait3A_278 = tpu.memref_slice %arg7[%rem3A_270, %dma_wait3A_276, %dma_wait3A_277] : memref<2x256x128xf32, #tpu.memory_space<vmem>> -> memref<1x128x128xf32, #tpu.memory_space<vmem>>
      %dma_wait3A_279 = tpu.memref_squeeze %dma_wait3A_278 : memref<1x128x128xf32, #tpu.memory_space<vmem>> -> memref<128x128xf32, #tpu.memory_space<vmem>>
      %dma_wait3A_280 = arith.constant 0 : i32
      %dma_wait3A_281 = tpu.memref_slice %arg6[%rem3A_270, %dma_wait3A_275, %dma_wait3A_280] : memref<2x2x128xi32, #tpu.memory_space<vmem>> -> memref<1x1x128xi32, #tpu.memory_space<vmem>>
      %dma_wait3A_282 = tpu.memref_squeeze %dma_wait3A_281 : memref<1x1x128xi32, #tpu.memory_space<vmem>> -> memref<128xi32, #tpu.memory_space<vmem>>
      %dma_wait3A_283 = arith.constant 0 : i32
      %dma_wait3A_284 = arith.constant 0 : i32
      %dma_wait3A_285 = tpu.memref_slice %arg3[%dma_wait3A_283, %dma_wait3A_284] : memref<125000x128xf32, #tpu.memory_space<hbm>> -> memref<125000x128xf32, #tpu.memory_space<hbm>>
      tpu.wait_indirect_dma semaphore(%arg9 : memref<!tpu.dma_semaphore, #tpu.memory_space<semaphore_mem>>) src(%dma_wait3A_285 : memref<125000x128xf32, #tpu.memory_space<hbm>>) dst(%dma_wait3A_279 : memref<128x128xf32, #tpu.memory_space<vmem>>)
      %dma_wait3A_286 = arith.constant 1 : i32
      %dma_wait3A_287 = arith.constant 128 : i32
      %dma_wait3A_288 = arith.constant 0 : i32
      %dma_wait3A_289 = tpu.memref_slice %arg7[%rem3A_270, %dma_wait3A_287, %dma_wait3A_288] : memref<2x256x128xf32, #tpu.memory_space<vmem>> -> memref<1x128x128xf32, #tpu.memory_space<vmem>>
      %dma_wait3A_290 = tpu.memref_squeeze %dma_wait3A_289 : memref<1x128x128xf32, #tpu.memory_space<vmem>> -> memref<128x128xf32, #tpu.memory_space<vmem>>
      %dma_wait3A_291 = arith.constant 0 : i32
      %dma_wait3A_292 = tpu.memref_slice %arg6[%rem3A_270, %dma_wait3A_286, %dma_wait3A_291] : memref<2x2x128xi32, #tpu.memory_space<vmem>> -> memref<1x1x128xi32, #tpu.memory_space<vmem>>
      %dma_wait3A_293 = tpu.memref_squeeze %dma_wait3A_292 : memref<1x1x128xi32, #tpu.memory_space<vmem>> -> memref<128xi32, #tpu.memory_space<vmem>>
      %dma_wait3A_294 = arith.constant 0 : i32
      %dma_wait3A_295 = arith.constant 0 : i32
      %dma_wait3A_296 = tpu.memref_slice %arg3[%dma_wait3A_294, %dma_wait3A_295] : memref<125000x128xf32, #tpu.memory_space<hbm>> -> memref<125000x128xf32, #tpu.memory_space<hbm>>
      tpu.wait_indirect_dma semaphore(%arg9 : memref<!tpu.dma_semaphore, #tpu.memory_space<semaphore_mem>>) src(%dma_wait3A_296 : memref<125000x128xf32, #tpu.memory_space<hbm>>) dst(%dma_wait3A_290 : memref<128x128xf32, #tpu.memory_space<vmem>>)
      %ge3A = arith.constant 2 : i32
      %ge3A_297 = arith.cmpi sge, %scan3A_269, %ge3A : i32
      %convert_element_type3A_298 = arith.extui %ge3A_297 : i1 to i32
      %cond3A_299 = arith.constant 0 : i32
      %cond3A_300 = arith.cmpi ne, %convert_element_type3A_298, %cond3A_299 : i32
      scf.if %cond3A_300 {
        %mul3A_322 = arith.constant 256 : i32
        %mul3A_323 = arith.muli %scan3A_269, %mul3A_322 : i32
        %add3A_324 = arith.addi %mul3A_4, %mul3A_323 : i32
        %dma_wait3A_325 = arith.constant 0 : i32
        %dma_wait3A_326 = arith.constant 0 : i32
        %dma_wait3A_327 = tpu.memref_slice %arg8[%rem3A_270, %dma_wait3A_325, %dma_wait3A_326] : memref<2x16x256xf32, #tpu.memory_space<vmem>> -> memref<1x16x256xf32, #tpu.memory_space<vmem>>
        %dma_wait3A_328 = tpu.memref_squeeze %dma_wait3A_327 : memref<1x16x256xf32, #tpu.memory_space<vmem>> -> memref<16x256xf32, #tpu.memory_space<vmem>>
        %dma_wait3A_329 = arith.constant 0 : i32
        %dma_wait3A_330 = tpu.memref_slice %arg4[%dma_wait3A_329, %add3A_324] : memref<16x425984xf32, #tpu.memory_space<hbm>> -> memref<16x256xf32, #tpu.memory_space<hbm>>
        %dma_wait3A_331 = arith.constant 0 : i32
        %dma_wait3A_332 = tpu.memref_slice %arg4[%dma_wait3A_331, %add3A_324] : memref<16x425984xf32, #tpu.memory_space<hbm>> -> memref<16x256xf32, #tpu.memory_space<hbm>>
        %dma_wait3A_333 = arith.constant 0 : i32
        %dma_wait3A_334 = arith.constant 0 : i32
        %dma_wait3A_335 = tpu.memref_slice %arg8[%rem3A_270, %dma_wait3A_333, %dma_wait3A_334] : memref<2x16x256xf32, #tpu.memory_space<vmem>> -> memref<1x16x256xf32, #tpu.memory_space<vmem>>
        %dma_wait3A_336 = tpu.memref_squeeze %dma_wait3A_335 : memref<1x16x256xf32, #tpu.memory_space<vmem>> -> memref<16x256xf32, #tpu.memory_space<vmem>>
        tpu.wait_dma2 semaphore(%arg10 : memref<!tpu.dma_semaphore, #tpu.memory_space<semaphore_mem>>) src(%dma_wait3A_336 : memref<16x256xf32, #tpu.memory_space<vmem>>) dst(%dma_wait3A_332 : memref<16x256xf32, #tpu.memory_space<hbm>>)
      } else {
      }
      %scan3A_301 = arith.constant 0 : i32
      %scan3A_302 = arith.constant 0 : i32
      %scan3A_303 = arith.constant 16 : i32
      %scan3A_304 = arith.addi %scan3A_302, %scan3A_303 : i32
      %scan3A_305 = arith.constant 1 : i32
      scf.for %scan3A_322 = %scan3A_302 to %scan3A_304 step %scan3A_305  : i32 {
        %mul3A_323 = arith.constant 16 : i32
        %mul3A_324 = arith.muli %scan3A_322, %mul3A_323 : i32
        %mul3A_325 = arith.constant 2 : i32
        %mul3A_326 = arith.muli %scan3A_269, %mul3A_325 : i32
        %jit3A = arith.constant 8 : i32
        %div3A = arith.divsi %scan3A_322, %jit3A : i32
        %sign3A = arith.constant 0 : i32
        %sign3A_327 = arith.cmpi sgt, %scan3A_322, %sign3A : i32
        %sign3A_328 = arith.extui %sign3A_327 : i1 to i32
        %sign3A_329 = arith.constant 0 : i32
        %sign3A_330 = arith.cmpi slt, %scan3A_322, %sign3A_329 : i32
        %sign3A_331 = arith.extui %sign3A_330 : i1 to i32
        %sign3A_332 = arith.subi %sign3A_328, %sign3A_331 : i32
        %sign3A_333 = arith.constant 0 : i32
        %sign3A_334 = arith.cmpi sgt, %jit3A, %sign3A_333 : i32
        %sign3A_335 = arith.extui %sign3A_334 : i1 to i32
        %sign3A_336 = arith.constant 0 : i32
        %sign3A_337 = arith.cmpi slt, %jit3A, %sign3A_336 : i32
        %sign3A_338 = arith.extui %sign3A_337 : i1 to i32
        %sign3A_339 = arith.subi %sign3A_335, %sign3A_338 : i32
        %ne3A = arith.cmpi ne, %sign3A_332, %sign3A_339 : i32
        %rem3A_340 = arith.remsi %scan3A_322, %jit3A : i32
        %ne3A_341 = arith.constant 0 : i32
        %ne3A_342 = arith.cmpi ne, %rem3A_340, %ne3A_341 : i32
        %and3A = arith.andi %ne3A, %ne3A_342 : i1
        %sub3A = arith.constant 1 : i32
        %sub3A_343 = arith.subi %div3A, %sub3A : i32
        %select_n3A = arith.select %and3A, %sub3A_343, %div3A : i32
        %add3A_344 = arith.addi %mul3A_326, %select_n3A : i32
        %rem3A_345 = arith.constant 8 : i32
        %rem3A_346 = arith.remsi %scan3A_322, %rem3A_345 : i32
        %mul3A_347 = arith.constant 16 : i32
        %mul3A_348 = arith.muli %rem3A_346, %mul3A_347 : i32
        %add3A_349 = vector.broadcast %mul3A_348 : i32 to vector<16xi32>
        %add3A_350 = arith.addi %iota3A, %add3A_349 : vector<16xi32>
        %broadcast_in_dim3A_351 = vector.broadcast %add3A_344 : i32 to vector<16xi32>
        %gather3A_352 = tpu.vector_load_idx %arg5[%broadcast_in_dim3A_351, %add3A_350] : memref<104x128xi32, #tpu.memory_space<vmem>>[vector<16xi32>, vector<16xi32>], vector<16xi32>,
        %rem3A_353 = arith.constant 8 : i32
        %rem3A_354 = vector.broadcast %rem3A_353 : i32 to vector<16xi32>
        %rem3A_355 = arith.remsi %gather3A_352, %rem3A_354 : vector<16xi32>
        %mul3A_356 = arith.constant 16 : i32
        %mul3A_357 = vector.broadcast %mul3A_356 : i32 to vector<16xi32>
        %mul3A_358 = arith.muli %rem3A_355, %mul3A_357 : vector<16xi32>
        %add3A_359 = vector.broadcast %mul3A_324 : i32 to vector<16xi32>
        %add3A_360 = arith.addi %iota3A, %add3A_359 : vector<16xi32>
        %add3A_361 = arith.constant 0 : i32
        %add3A_362 = vector.broadcast %add3A_361 : i32 to vector<16xi32>
        %add3A_363 = arith.addi %mul3A_358, %add3A_362 : vector<16xi32>
        %gather3A_364 = arith.constant 0 : i32
        %gather3A_365 = arith.constant 0 : i32
        %gather3A_366 = tpu.memref_slice %arg7[%rem3A_270, %gather3A_364, %gather3A_365] : memref<2x256x128xf32, #tpu.memory_space<vmem>> -> memref<1x256x128xf32, #tpu.memory_space<vmem>>
        %gather3A_367 = tpu.memref_squeeze %gather3A_366 : memref<1x256x128xf32, #tpu.memory_space<vmem>> -> memref<256x128xf32, #tpu.memory_space<vmem>>
        %gather3A_368 = tpu.vector_load_idx %gather3A_367[%add3A_360, %add3A_363] : memref<256x128xf32, #tpu.memory_space<vmem>>[vector<16xi32>, vector<16xi32>], vector<16xf32>,
        %broadcast_in_dim3A_369 = arith.constant 0 : i32
        %broadcast_in_dim3A_370 = vector.broadcast %broadcast_in_dim3A_369 : i32 to vector<16xi32>
        %scatter3A = arith.constant 0 : i32
        %scatter3A_371 = arith.constant 0 : i32
        %scatter3A_372 = tpu.memref_slice %arg8[%rem3A_270, %scatter3A, %scatter3A_371] : memref<2x16x256xf32, #tpu.memory_space<vmem>> -> memref<1x16x256xf32, #tpu.memory_space<vmem>>
        %scatter3A_373 = tpu.memref_squeeze %scatter3A_372 : memref<1x16x256xf32, #tpu.memory_space<vmem>> -> memref<16x256xf32, #tpu.memory_space<vmem>>
        tpu.vector_store_idx %scatter3A_373[%broadcast_in_dim3A_370, %add3A_360], %gather3A_368 : memref<16x256xf32, #tpu.memory_space<vmem>>[vector<16xi32>, vector<16xi32>], vector<16xf32>,
        %add3A_374 = arith.constant 1 : i32
        %add3A_375 = vector.broadcast %add3A_374 : i32 to vector<16xi32>
        %add3A_376 = arith.addi %mul3A_358, %add3A_375 : vector<16xi32>
        %gather3A_377 = arith.constant 0 : i32
        %gather3A_378 = arith.constant 0 : i32
        %gather3A_379 = tpu.memref_slice %arg7[%rem3A_270, %gather3A_377, %gather3A_378] : memref<2x256x128xf32, #tpu.memory_space<vmem>> -> memref<1x256x128xf32, #tpu.memory_space<vmem>>
        %gather3A_380 = tpu.memref_squeeze %gather3A_379 : memref<1x256x128xf32, #tpu.memory_space<vmem>> -> memref<256x128xf32, #tpu.memory_space<vmem>>
        %gather3A_381 = tpu.vector_load_idx %gather3A_380[%add3A_360, %add3A_376] : memref<256x128xf32, #tpu.memory_space<vmem>>[vector<16xi32>, vector<16xi32>], vector<16xf32>,
        %broadcast_in_dim3A_382 = arith.constant 1 : i32
        %broadcast_in_dim3A_383 = vector.broadcast %broadcast_in_dim3A_382 : i32 to vector<16xi32>
        %scatter3A_384 = arith.constant 0 : i32
        %scatter3A_385 = arith.constant 0 : i32
        %scatter3A_386 = tpu.memref_slice %arg8[%rem3A_270, %scatter3A_384, %scatter3A_385] : memref<2x16x256xf32, #tpu.memory_space<vmem>> -> memref<1x16x256xf32, #tpu.memory_space<vmem>>
        %scatter3A_387 = tpu.memref_squeeze %scatter3A_386 : memref<1x16x256xf32, #tpu.memory_space<vmem>> -> memref<16x256xf32, #tpu.memory_space<vmem>>
        tpu.vector_store_idx %scatter3A_387[%broadcast_in_dim3A_383, %add3A_360], %gather3A_381 : memref<16x256xf32, #tpu.memory_space<vmem>>[vector<16xi32>, vector<16xi32>], vector<16xf32>,
        %add3A_388 = arith.constant 2 : i32
        %add3A_389 = vector.broadcast %add3A_388 : i32 to vector<16xi32>
        %add3A_390 = arith.addi %mul3A_358, %add3A_389 : vector<16xi32>
        %gather3A_391 = arith.constant 0 : i32
        %gather3A_392 = arith.constant 0 : i32
        %gather3A_393 = tpu.memref_slice %arg7[%rem3A_270, %gather3A_391, %gather3A_392] : memref<2x256x128xf32, #tpu.memory_space<vmem>> -> memref<1x256x128xf32, #tpu.memory_space<vmem>>
        %gather3A_394 = tpu.memref_squeeze %gather3A_393 : memref<1x256x128xf32, #tpu.memory_space<vmem>> -> memref<256x128xf32, #tpu.memory_space<vmem>>
        %gather3A_395 = tpu.vector_load_idx %gather3A_394[%add3A_360, %add3A_390] : memref<256x128xf32, #tpu.memory_space<vmem>>[vector<16xi32>, vector<16xi32>], vector<16xf32>,
        %broadcast_in_dim3A_396 = arith.constant 2 : i32
        %broadcast_in_dim3A_397 = vector.broadcast %broadcast_in_dim3A_396 : i32 to vector<16xi32>
        %scatter3A_398 = arith.constant 0 : i32
        %scatter3A_399 = arith.constant 0 : i32
        %scatter3A_400 = tpu.memref_slice %arg8[%rem3A_270, %scatter3A_398, %scatter3A_399] : memref<2x16x256xf32, #tpu.memory_space<vmem>> -> memref<1x16x256xf32, #tpu.memory_space<vmem>>
        %scatter3A_401 = tpu.memref_squeeze %scatter3A_400 : memref<1x16x256xf32, #tpu.memory_space<vmem>> -> memref<16x256xf32, #tpu.memory_space<vmem>>
        tpu.vector_store_idx %scatter3A_401[%broadcast_in_dim3A_397, %add3A_360], %gather3A_395 : memref<16x256xf32, #tpu.memory_space<vmem>>[vector<16xi32>, vector<16xi32>], vector<16xf32>,
        %add3A_402 = arith.constant 3 : i32
        %add3A_403 = vector.broadcast %add3A_402 : i32 to vector<16xi32>
        %add3A_404 = arith.addi %mul3A_358, %add3A_403 : vector<16xi32>
        %gather3A_405 = arith.constant 0 : i32
        %gather3A_406 = arith.constant 0 : i32
        %gather3A_407 = tpu.memref_slice %arg7[%rem3A_270, %gather3A_405, %gather3A_406] : memref<2x256x128xf32, #tpu.memory_space<vmem>> -> memref<1x256x128xf32, #tpu.memory_space<vmem>>
        %gather3A_408 = tpu.memref_squeeze %gather3A_407 : memref<1x256x128xf32, #tpu.memory_space<vmem>> -> memref<256x128xf32, #tpu.memory_space<vmem>>
        %gather3A_409 = tpu.vector_load_idx %gather3A_408[%add3A_360, %add3A_404] : memref<256x128xf32, #tpu.memory_space<vmem>>[vector<16xi32>, vector<16xi32>], vector<16xf32>,
        %broadcast_in_dim3A_410 = arith.constant 3 : i32
        %broadcast_in_dim3A_411 = vector.broadcast %broadcast_in_dim3A_410 : i32 to vector<16xi32>
        %scatter3A_412 = arith.constant 0 : i32
        %scatter3A_413 = arith.constant 0 : i32
        %scatter3A_414 = tpu.memref_slice %arg8[%rem3A_270, %scatter3A_412, %scatter3A_413] : memref<2x16x256xf32, #tpu.memory_space<vmem>> -> memref<1x16x256xf32, #tpu.memory_space<vmem>>
        %scatter3A_415 = tpu.memref_squeeze %scatter3A_414 : memref<1x16x256xf32, #tpu.memory_space<vmem>> -> memref<16x256xf32, #tpu.memory_space<vmem>>
        tpu.vector_store_idx %scatter3A_415[%broadcast_in_dim3A_411, %add3A_360], %gather3A_409 : memref<16x256xf32, #tpu.memory_space<vmem>>[vector<16xi32>, vector<16xi32>], vector<16xf32>,
        %add3A_416 = arith.constant 4 : i32
        %add3A_417 = vector.broadcast %add3A_416 : i32 to vector<16xi32>
        %add3A_418 = arith.addi %mul3A_358, %add3A_417 : vector<16xi32>
        %gather3A_419 = arith.constant 0 : i32
        %gather3A_420 = arith.constant 0 : i32
        %gather3A_421 = tpu.memref_slice %arg7[%rem3A_270, %gather3A_419, %gather3A_420] : memref<2x256x128xf32, #tpu.memory_space<vmem>> -> memref<1x256x128xf32, #tpu.memory_space<vmem>>
        %gather3A_422 = tpu.memref_squeeze %gather3A_421 : memref<1x256x128xf32, #tpu.memory_space<vmem>> -> memref<256x128xf32, #tpu.memory_space<vmem>>
        %gather3A_423 = tpu.vector_load_idx %gather3A_422[%add3A_360, %add3A_418] : memref<256x128xf32, #tpu.memory_space<vmem>>[vector<16xi32>, vector<16xi32>], vector<16xf32>,
        %broadcast_in_dim3A_424 = arith.constant 4 : i32
        %broadcast_in_dim3A_425 = vector.broadcast %broadcast_in_dim3A_424 : i32 to vector<16xi32>
        %scatter3A_426 = arith.constant 0 : i32
        %scatter3A_427 = arith.constant 0 : i32
        %scatter3A_428 = tpu.memref_slice %arg8[%rem3A_270, %scatter3A_426, %scatter3A_427] : memref<2x16x256xf32, #tpu.memory_space<vmem>> -> memref<1x16x256xf32, #tpu.memory_space<vmem>>
        %scatter3A_429 = tpu.memref_squeeze %scatter3A_428 : memref<1x16x256xf32, #tpu.memory_space<vmem>> -> memref<16x256xf32, #tpu.memory_space<vmem>>
        tpu.vector_store_idx %scatter3A_429[%broadcast_in_dim3A_425, %add3A_360], %gather3A_423 : memref<16x256xf32, #tpu.memory_space<vmem>>[vector<16xi32>, vector<16xi32>], vector<16xf32>,
        %add3A_430 = arith.constant 5 : i32
        %add3A_431 = vector.broadcast %add3A_430 : i32 to vector<16xi32>
        %add3A_432 = arith.addi %mul3A_358, %add3A_431 : vector<16xi32>
        %gather3A_433 = arith.constant 0 : i32
        %gather3A_434 = arith.constant 0 : i32
        %gather3A_435 = tpu.memref_slice %arg7[%rem3A_270, %gather3A_433, %gather3A_434] : memref<2x256x128xf32, #tpu.memory_space<vmem>> -> memref<1x256x128xf32, #tpu.memory_space<vmem>>
        %gather3A_436 = tpu.memref_squeeze %gather3A_435 : memref<1x256x128xf32, #tpu.memory_space<vmem>> -> memref<256x128xf32, #tpu.memory_space<vmem>>
        %gather3A_437 = tpu.vector_load_idx %gather3A_436[%add3A_360, %add3A_432] : memref<256x128xf32, #tpu.memory_space<vmem>>[vector<16xi32>, vector<16xi32>], vector<16xf32>,
        %broadcast_in_dim3A_438 = arith.constant 5 : i32
        %broadcast_in_dim3A_439 = vector.broadcast %broadcast_in_dim3A_438 : i32 to vector<16xi32>
        %scatter3A_440 = arith.constant 0 : i32
        %scatter3A_441 = arith.constant 0 : i32
        %scatter3A_442 = tpu.memref_slice %arg8[%rem3A_270, %scatter3A_440, %scatter3A_441] : memref<2x16x256xf32, #tpu.memory_space<vmem>> -> memref<1x16x256xf32, #tpu.memory_space<vmem>>
        %scatter3A_443 = tpu.memref_squeeze %scatter3A_442 : memref<1x16x256xf32, #tpu.memory_space<vmem>> -> memref<16x256xf32, #tpu.memory_space<vmem>>
        tpu.vector_store_idx %scatter3A_443[%broadcast_in_dim3A_439, %add3A_360], %gather3A_437 : memref<16x256xf32, #tpu.memory_space<vmem>>[vector<16xi32>, vector<16xi32>], vector<16xf32>,
        %add3A_444 = arith.constant 6 : i32
        %add3A_445 = vector.broadcast %add3A_444 : i32 to vector<16xi32>
        %add3A_446 = arith.addi %mul3A_358, %add3A_445 : vector<16xi32>
        %gather3A_447 = arith.constant 0 : i32
        %gather3A_448 = arith.constant 0 : i32
        %gather3A_449 = tpu.memref_slice %arg7[%rem3A_270, %gather3A_447, %gather3A_448] : memref<2x256x128xf32, #tpu.memory_space<vmem>> -> memref<1x256x128xf32, #tpu.memory_space<vmem>>
        %gather3A_450 = tpu.memref_squeeze %gather3A_449 : memref<1x256x128xf32, #tpu.memory_space<vmem>> -> memref<256x128xf32, #tpu.memory_space<vmem>>
        %gather3A_451 = tpu.vector_load_idx %gather3A_450[%add3A_360, %add3A_446] : memref<256x128xf32, #tpu.memory_space<vmem>>[vector<16xi32>, vector<16xi32>], vector<16xf32>,
        %broadcast_in_dim3A_452 = arith.constant 6 : i32
        %broadcast_in_dim3A_453 = vector.broadcast %broadcast_in_dim3A_452 : i32 to vector<16xi32>
        %scatter3A_454 = arith.constant 0 : i32
        %scatter3A_455 = arith.constant 0 : i32
        %scatter3A_456 = tpu.memref_slice %arg8[%rem3A_270, %scatter3A_454, %scatter3A_455] : memref<2x16x256xf32, #tpu.memory_space<vmem>> -> memref<1x16x256xf32, #tpu.memory_space<vmem>>
        %scatter3A_457 = tpu.memref_squeeze %scatter3A_456 : memref<1x16x256xf32, #tpu.memory_space<vmem>> -> memref<16x256xf32, #tpu.memory_space<vmem>>
        tpu.vector_store_idx %scatter3A_457[%broadcast_in_dim3A_453, %add3A_360], %gather3A_451 : memref<16x256xf32, #tpu.memory_space<vmem>>[vector<16xi32>, vector<16xi32>], vector<16xf32>,
        %add3A_458 = arith.constant 7 : i32
        %add3A_459 = vector.broadcast %add3A_458 : i32 to vector<16xi32>
        %add3A_460 = arith.addi %mul3A_358, %add3A_459 : vector<16xi32>
        %gather3A_461 = arith.constant 0 : i32
        %gather3A_462 = arith.constant 0 : i32
        %gather3A_463 = tpu.memref_slice %arg7[%rem3A_270, %gather3A_461, %gather3A_462] : memref<2x256x128xf32, #tpu.memory_space<vmem>> -> memref<1x256x128xf32, #tpu.memory_space<vmem>>
        %gather3A_464 = tpu.memref_squeeze %gather3A_463 : memref<1x256x128xf32, #tpu.memory_space<vmem>> -> memref<256x128xf32, #tpu.memory_space<vmem>>
        %gather3A_465 = tpu.vector_load_idx %gather3A_464[%add3A_360, %add3A_460] : memref<256x128xf32, #tpu.memory_space<vmem>>[vector<16xi32>, vector<16xi32>], vector<16xf32>,
        %broadcast_in_dim3A_466 = arith.constant 7 : i32
        %broadcast_in_dim3A_467 = vector.broadcast %broadcast_in_dim3A_466 : i32 to vector<16xi32>
        %scatter3A_468 = arith.constant 0 : i32
        %scatter3A_469 = arith.constant 0 : i32
        %scatter3A_470 = tpu.memref_slice %arg8[%rem3A_270, %scatter3A_468, %scatter3A_469] : memref<2x16x256xf32, #tpu.memory_space<vmem>> -> memref<1x16x256xf32, #tpu.memory_space<vmem>>
        %scatter3A_471 = tpu.memref_squeeze %scatter3A_470 : memref<1x16x256xf32, #tpu.memory_space<vmem>> -> memref<16x256xf32, #tpu.memory_space<vmem>>
        tpu.vector_store_idx %scatter3A_471[%broadcast_in_dim3A_467, %add3A_360], %gather3A_465 : memref<16x256xf32, #tpu.memory_space<vmem>>[vector<16xi32>, vector<16xi32>], vector<16xf32>,
        %add3A_472 = arith.constant 8 : i32
        %add3A_473 = vector.broadcast %add3A_472 : i32 to vector<16xi32>
        %add3A_474 = arith.addi %mul3A_358, %add3A_473 : vector<16xi32>
        %gather3A_475 = arith.constant 0 : i32
        %gather3A_476 = arith.constant 0 : i32
        %gather3A_477 = tpu.memref_slice %arg7[%rem3A_270, %gather3A_475, %gather3A_476] : memref<2x256x128xf32, #tpu.memory_space<vmem>> -> memref<1x256x128xf32, #tpu.memory_space<vmem>>
        %gather3A_478 = tpu.memref_squeeze %gather3A_477 : memref<1x256x128xf32, #tpu.memory_space<vmem>> -> memref<256x128xf32, #tpu.memory_space<vmem>>
        %gather3A_479 = tpu.vector_load_idx %gather3A_478[%add3A_360, %add3A_474] : memref<256x128xf32, #tpu.memory_space<vmem>>[vector<16xi32>, vector<16xi32>], vector<16xf32>,
        %broadcast_in_dim3A_480 = arith.constant 8 : i32
        %broadcast_in_dim3A_481 = vector.broadcast %broadcast_in_dim3A_480 : i32 to vector<16xi32>
        %scatter3A_482 = arith.constant 0 : i32
        %scatter3A_483 = arith.constant 0 : i32
        %scatter3A_484 = tpu.memref_slice %arg8[%rem3A_270, %scatter3A_482, %scatter3A_483] : memref<2x16x256xf32, #tpu.memory_space<vmem>> -> memref<1x16x256xf32, #tpu.memory_space<vmem>>
        %scatter3A_485 = tpu.memref_squeeze %scatter3A_484 : memref<1x16x256xf32, #tpu.memory_space<vmem>> -> memref<16x256xf32, #tpu.memory_space<vmem>>
        tpu.vector_store_idx %scatter3A_485[%broadcast_in_dim3A_481, %add3A_360], %gather3A_479 : memref<16x256xf32, #tpu.memory_space<vmem>>[vector<16xi32>, vector<16xi32>], vector<16xf32>,
        %add3A_486 = arith.constant 9 : i32
        %add3A_487 = vector.broadcast %add3A_486 : i32 to vector<16xi32>
        %add3A_488 = arith.addi %mul3A_358, %add3A_487 : vector<16xi32>
        %gather3A_489 = arith.constant 0 : i32
        %gather3A_490 = arith.constant 0 : i32
        %gather3A_491 = tpu.memref_slice %arg7[%rem3A_270, %gather3A_489, %gather3A_490] : memref<2x256x128xf32, #tpu.memory_space<vmem>> -> memref<1x256x128xf32, #tpu.memory_space<vmem>>
        %gather3A_492 = tpu.memref_squeeze %gather3A_491 : memref<1x256x128xf32, #tpu.memory_space<vmem>> -> memref<256x128xf32, #tpu.memory_space<vmem>>
        %gather3A_493 = tpu.vector_load_idx %gather3A_492[%add3A_360, %add3A_488] : memref<256x128xf32, #tpu.memory_space<vmem>>[vector<16xi32>, vector<16xi32>], vector<16xf32>,
        %broadcast_in_dim3A_494 = arith.constant 9 : i32
        %broadcast_in_dim3A_495 = vector.broadcast %broadcast_in_dim3A_494 : i32 to vector<16xi32>
        %scatter3A_496 = arith.constant 0 : i32
        %scatter3A_497 = arith.constant 0 : i32
        %scatter3A_498 = tpu.memref_slice %arg8[%rem3A_270, %scatter3A_496, %scatter3A_497] : memref<2x16x256xf32, #tpu.memory_space<vmem>> -> memref<1x16x256xf32, #tpu.memory_space<vmem>>
        %scatter3A_499 = tpu.memref_squeeze %scatter3A_498 : memref<1x16x256xf32, #tpu.memory_space<vmem>> -> memref<16x256xf32, #tpu.memory_space<vmem>>
        tpu.vector_store_idx %scatter3A_499[%broadcast_in_dim3A_495, %add3A_360], %gather3A_493 : memref<16x256xf32, #tpu.memory_space<vmem>>[vector<16xi32>, vector<16xi32>], vector<16xf32>,
        %add3A_500 = arith.constant 10 : i32
        %add3A_501 = vector.broadcast %add3A_500 : i32 to vector<16xi32>
        %add3A_502 = arith.addi %mul3A_358, %add3A_501 : vector<16xi32>
        %gather3A_503 = arith.constant 0 : i32
        %gather3A_504 = arith.constant 0 : i32
        %gather3A_505 = tpu.memref_slice %arg7[%rem3A_270, %gather3A_503, %gather3A_504] : memref<2x256x128xf32, #tpu.memory_space<vmem>> -> memref<1x256x128xf32, #tpu.memory_space<vmem>>
        %gather3A_506 = tpu.memref_squeeze %gather3A_505 : memref<1x256x128xf32, #tpu.memory_space<vmem>> -> memref<256x128xf32, #tpu.memory_space<vmem>>
        %gather3A_507 = tpu.vector_load_idx %gather3A_506[%add3A_360, %add3A_502] : memref<256x128xf32, #tpu.memory_space<vmem>>[vector<16xi32>, vector<16xi32>], vector<16xf32>,
        %broadcast_in_dim3A_508 = arith.constant 10 : i32
        %broadcast_in_dim3A_509 = vector.broadcast %broadcast_in_dim3A_508 : i32 to vector<16xi32>
        %scatter3A_510 = arith.constant 0 : i32
        %scatter3A_511 = arith.constant 0 : i32
        %scatter3A_512 = tpu.memref_slice %arg8[%rem3A_270, %scatter3A_510, %scatter3A_511] : memref<2x16x256xf32, #tpu.memory_space<vmem>> -> memref<1x16x256xf32, #tpu.memory_space<vmem>>
        %scatter3A_513 = tpu.memref_squeeze %scatter3A_512 : memref<1x16x256xf32, #tpu.memory_space<vmem>> -> memref<16x256xf32, #tpu.memory_space<vmem>>
        tpu.vector_store_idx %scatter3A_513[%broadcast_in_dim3A_509, %add3A_360], %gather3A_507 : memref<16x256xf32, #tpu.memory_space<vmem>>[vector<16xi32>, vector<16xi32>], vector<16xf32>,
        %add3A_514 = arith.constant 11 : i32
        %add3A_515 = vector.broadcast %add3A_514 : i32 to vector<16xi32>
        %add3A_516 = arith.addi %mul3A_358, %add3A_515 : vector<16xi32>
        %gather3A_517 = arith.constant 0 : i32
        %gather3A_518 = arith.constant 0 : i32
        %gather3A_519 = tpu.memref_slice %arg7[%rem3A_270, %gather3A_517, %gather3A_518] : memref<2x256x128xf32, #tpu.memory_space<vmem>> -> memref<1x256x128xf32, #tpu.memory_space<vmem>>
        %gather3A_520 = tpu.memref_squeeze %gather3A_519 : memref<1x256x128xf32, #tpu.memory_space<vmem>> -> memref<256x128xf32, #tpu.memory_space<vmem>>
        %gather3A_521 = tpu.vector_load_idx %gather3A_520[%add3A_360, %add3A_516] : memref<256x128xf32, #tpu.memory_space<vmem>>[vector<16xi32>, vector<16xi32>], vector<16xf32>,
        %broadcast_in_dim3A_522 = arith.constant 11 : i32
        %broadcast_in_dim3A_523 = vector.broadcast %broadcast_in_dim3A_522 : i32 to vector<16xi32>
        %scatter3A_524 = arith.constant 0 : i32
        %scatter3A_525 = arith.constant 0 : i32
        %scatter3A_526 = tpu.memref_slice %arg8[%rem3A_270, %scatter3A_524, %scatter3A_525] : memref<2x16x256xf32, #tpu.memory_space<vmem>> -> memref<1x16x256xf32, #tpu.memory_space<vmem>>
        %scatter3A_527 = tpu.memref_squeeze %scatter3A_526 : memref<1x16x256xf32, #tpu.memory_space<vmem>> -> memref<16x256xf32, #tpu.memory_space<vmem>>
        tpu.vector_store_idx %scatter3A_527[%broadcast_in_dim3A_523, %add3A_360], %gather3A_521 : memref<16x256xf32, #tpu.memory_space<vmem>>[vector<16xi32>, vector<16xi32>], vector<16xf32>,
        %add3A_528 = arith.constant 12 : i32
        %add3A_529 = vector.broadcast %add3A_528 : i32 to vector<16xi32>
        %add3A_530 = arith.addi %mul3A_358, %add3A_529 : vector<16xi32>
        %gather3A_531 = arith.constant 0 : i32
        %gather3A_532 = arith.constant 0 : i32
        %gather3A_533 = tpu.memref_slice %arg7[%rem3A_270, %gather3A_531, %gather3A_532] : memref<2x256x128xf32, #tpu.memory_space<vmem>> -> memref<1x256x128xf32, #tpu.memory_space<vmem>>
        %gather3A_534 = tpu.memref_squeeze %gather3A_533 : memref<1x256x128xf32, #tpu.memory_space<vmem>> -> memref<256x128xf32, #tpu.memory_space<vmem>>
        %gather3A_535 = tpu.vector_load_idx %gather3A_534[%add3A_360, %add3A_530] : memref<256x128xf32, #tpu.memory_space<vmem>>[vector<16xi32>, vector<16xi32>], vector<16xf32>,
        %broadcast_in_dim3A_536 = arith.constant 12 : i32
        %broadcast_in_dim3A_537 = vector.broadcast %broadcast_in_dim3A_536 : i32 to vector<16xi32>
        %scatter3A_538 = arith.constant 0 : i32
        %scatter3A_539 = arith.constant 0 : i32
        %scatter3A_540 = tpu.memref_slice %arg8[%rem3A_270, %scatter3A_538, %scatter3A_539] : memref<2x16x256xf32, #tpu.memory_space<vmem>> -> memref<1x16x256xf32, #tpu.memory_space<vmem>>
        %scatter3A_541 = tpu.memref_squeeze %scatter3A_540 : memref<1x16x256xf32, #tpu.memory_space<vmem>> -> memref<16x256xf32, #tpu.memory_space<vmem>>
        tpu.vector_store_idx %scatter3A_541[%broadcast_in_dim3A_537, %add3A_360], %gather3A_535 : memref<16x256xf32, #tpu.memory_space<vmem>>[vector<16xi32>, vector<16xi32>], vector<16xf32>,
        %add3A_542 = arith.constant 13 : i32
        %add3A_543 = vector.broadcast %add3A_542 : i32 to vector<16xi32>
        %add3A_544 = arith.addi %mul3A_358, %add3A_543 : vector<16xi32>
        %gather3A_545 = arith.constant 0 : i32
        %gather3A_546 = arith.constant 0 : i32
        %gather3A_547 = tpu.memref_slice %arg7[%rem3A_270, %gather3A_545, %gather3A_546] : memref<2x256x128xf32, #tpu.memory_space<vmem>> -> memref<1x256x128xf32, #tpu.memory_space<vmem>>
        %gather3A_548 = tpu.memref_squeeze %gather3A_547 : memref<1x256x128xf32, #tpu.memory_space<vmem>> -> memref<256x128xf32, #tpu.memory_space<vmem>>
        %gather3A_549 = tpu.vector_load_idx %gather3A_548[%add3A_360, %add3A_544] : memref<256x128xf32, #tpu.memory_space<vmem>>[vector<16xi32>, vector<16xi32>], vector<16xf32>,
        %broadcast_in_dim3A_550 = arith.constant 13 : i32
        %broadcast_in_dim3A_551 = vector.broadcast %broadcast_in_dim3A_550 : i32 to vector<16xi32>
        %scatter3A_552 = arith.constant 0 : i32
        %scatter3A_553 = arith.constant 0 : i32
        %scatter3A_554 = tpu.memref_slice %arg8[%rem3A_270, %scatter3A_552, %scatter3A_553] : memref<2x16x256xf32, #tpu.memory_space<vmem>> -> memref<1x16x256xf32, #tpu.memory_space<vmem>>
        %scatter3A_555 = tpu.memref_squeeze %scatter3A_554 : memref<1x16x256xf32, #tpu.memory_space<vmem>> -> memref<16x256xf32, #tpu.memory_space<vmem>>
        tpu.vector_store_idx %scatter3A_555[%broadcast_in_dim3A_551, %add3A_360], %gather3A_549 : memref<16x256xf32, #tpu.memory_space<vmem>>[vector<16xi32>, vector<16xi32>], vector<16xf32>,
        %add3A_556 = arith.constant 14 : i32
        %add3A_557 = vector.broadcast %add3A_556 : i32 to vector<16xi32>
        %add3A_558 = arith.addi %mul3A_358, %add3A_557 : vector<16xi32>
        %gather3A_559 = arith.constant 0 : i32
        %gather3A_560 = arith.constant 0 : i32
        %gather3A_561 = tpu.memref_slice %arg7[%rem3A_270, %gather3A_559, %gather3A_560] : memref<2x256x128xf32, #tpu.memory_space<vmem>> -> memref<1x256x128xf32, #tpu.memory_space<vmem>>
        %gather3A_562 = tpu.memref_squeeze %gather3A_561 : memref<1x256x128xf32, #tpu.memory_space<vmem>> -> memref<256x128xf32, #tpu.memory_space<vmem>>
        %gather3A_563 = tpu.vector_load_idx %gather3A_562[%add3A_360, %add3A_558] : memref<256x128xf32, #tpu.memory_space<vmem>>[vector<16xi32>, vector<16xi32>], vector<16xf32>,
        %broadcast_in_dim3A_564 = arith.constant 14 : i32
        %broadcast_in_dim3A_565 = vector.broadcast %broadcast_in_dim3A_564 : i32 to vector<16xi32>
        %scatter3A_566 = arith.constant 0 : i32
        %scatter3A_567 = arith.constant 0 : i32
        %scatter3A_568 = tpu.memref_slice %arg8[%rem3A_270, %scatter3A_566, %scatter3A_567] : memref<2x16x256xf32, #tpu.memory_space<vmem>> -> memref<1x16x256xf32, #tpu.memory_space<vmem>>
        %scatter3A_569 = tpu.memref_squeeze %scatter3A_568 : memref<1x16x256xf32, #tpu.memory_space<vmem>> -> memref<16x256xf32, #tpu.memory_space<vmem>>
        tpu.vector_store_idx %scatter3A_569[%broadcast_in_dim3A_565, %add3A_360], %gather3A_563 : memref<16x256xf32, #tpu.memory_space<vmem>>[vector<16xi32>, vector<16xi32>], vector<16xf32>,
        %add3A_570 = arith.constant 15 : i32
        %add3A_571 = vector.broadcast %add3A_570 : i32 to vector<16xi32>
        %add3A_572 = arith.addi %mul3A_358, %add3A_571 : vector<16xi32>
        %gather3A_573 = arith.constant 0 : i32
        %gather3A_574 = arith.constant 0 : i32
        %gather3A_575 = tpu.memref_slice %arg7[%rem3A_270, %gather3A_573, %gather3A_574] : memref<2x256x128xf32, #tpu.memory_space<vmem>> -> memref<1x256x128xf32, #tpu.memory_space<vmem>>
        %gather3A_576 = tpu.memref_squeeze %gather3A_575 : memref<1x256x128xf32, #tpu.memory_space<vmem>> -> memref<256x128xf32, #tpu.memory_space<vmem>>
        %gather3A_577 = tpu.vector_load_idx %gather3A_576[%add3A_360, %add3A_572] : memref<256x128xf32, #tpu.memory_space<vmem>>[vector<16xi32>, vector<16xi32>], vector<16xf32>,
        %broadcast_in_dim3A_578 = arith.constant 15 : i32
        %broadcast_in_dim3A_579 = vector.broadcast %broadcast_in_dim3A_578 : i32 to vector<16xi32>
        %scatter3A_580 = arith.constant 0 : i32
        %scatter3A_581 = arith.constant 0 : i32
        %scatter3A_582 = tpu.memref_slice %arg8[%rem3A_270, %scatter3A_580, %scatter3A_581] : memref<2x16x256xf32, #tpu.memory_space<vmem>> -> memref<1x16x256xf32, #tpu.memory_space<vmem>>
        %scatter3A_583 = tpu.memref_squeeze %scatter3A_582 : memref<1x16x256xf32, #tpu.memory_space<vmem>> -> memref<16x256xf32, #tpu.memory_space<vmem>>
        tpu.vector_store_idx %scatter3A_583[%broadcast_in_dim3A_579, %add3A_360], %gather3A_577 : memref<16x256xf32, #tpu.memory_space<vmem>>[vector<16xi32>, vector<16xi32>], vector<16xf32>,
      }
      %scan3A_306 = arith.constant 16 : i32
      %mul3A_307 = arith.constant 256 : i32
      %mul3A_308 = arith.muli %scan3A_269, %mul3A_307 : i32
      %add3A_309 = arith.addi %mul3A_4, %mul3A_308 : i32
      %dma_start3A_310 = arith.constant 0 : i32
      %dma_start3A_311 = arith.constant 0 : i32
      %dma_start3A_312 = tpu.memref_slice %arg8[%rem3A_270, %dma_start3A_310, %dma_start3A_311] : memref<2x16x256xf32, #tpu.memory_space<vmem>> -> memref<1x16x256xf32, #tpu.memory_space<vmem>>
      %dma_start3A_313 = tpu.memref_squeeze %dma_start3A_312 : memref<1x16x256xf32, #tpu.memory_space<vmem>> -> memref<16x256xf32, #tpu.memory_space<vmem>>
      %dma_start3A_314 = arith.constant 0 : i32
      %dma_start3A_315 = tpu.memref_slice %arg4[%dma_start3A_314, %add3A_309] : memref<16x425984xf32, #tpu.memory_space<hbm>> -> memref<16x256xf32, #tpu.memory_space<hbm>>
      %dma_start3A_316 = arith.constant 0 : i32
      %dma_start3A_317 = tpu.memref_slice %arg4[%dma_start3A_316, %add3A_309] : memref<16x425984xf32, #tpu.memory_space<hbm>> -> memref<16x256xf32, #tpu.memory_space<hbm>>
      %dma_start3A_318 = arith.constant 0 : i32
      %dma_start3A_319 = arith.constant 0 : i32
      %dma_start3A_320 = tpu.memref_slice %arg8[%rem3A_270, %dma_start3A_318, %dma_start3A_319] : memref<2x16x256xf32, #tpu.memory_space<vmem>> -> memref<1x16x256xf32, #tpu.memory_space<vmem>>
      %dma_start3A_321 = tpu.memref_squeeze %dma_start3A_320 : memref<1x16x256xf32, #tpu.memory_space<vmem>> -> memref<16x256xf32, #tpu.memory_space<vmem>>
      tpu.enqueue_dma source(%dma_start3A_321 : memref<16x256xf32, #tpu.memory_space<vmem>>) target(%dma_start3A_317 : memref<16x256xf32, #tpu.memory_space<hbm>>) target_semaphore(%arg10 : memref<!tpu.dma_semaphore, #tpu.memory_space<semaphore_mem>>)
    }
    %scan3A_239 = arith.constant 52 : i32
    %add3A_240 = arith.constant 12800 : i32
    %add3A_241 = arith.addi %mul3A_4, %add3A_240 : i32
    %dma_wait3A = arith.constant 0 : i32
    %dma_wait3A_242 = arith.constant 0 : i32
    %dma_wait3A_243 = arith.constant 0 : i32
    %dma_wait3A_244 = tpu.memref_slice %arg8[%dma_wait3A, %dma_wait3A_242, %dma_wait3A_243] : memref<2x16x256xf32, #tpu.memory_space<vmem>> -> memref<1x16x256xf32, #tpu.memory_space<vmem>>
    %dma_wait3A_245 = tpu.memref_squeeze %dma_wait3A_244 : memref<1x16x256xf32, #tpu.memory_space<vmem>> -> memref<16x256xf32, #tpu.memory_space<vmem>>
    %dma_wait3A_246 = arith.constant 0 : i32
    %dma_wait3A_247 = tpu.memref_slice %arg4[%dma_wait3A_246, %add3A_241] : memref<16x425984xf32, #tpu.memory_space<hbm>> -> memref<16x256xf32, #tpu.memory_space<hbm>>
    %dma_wait3A_248 = arith.constant 0 : i32
    %dma_wait3A_249 = tpu.memref_slice %arg4[%dma_wait3A_248, %add3A_241] : memref<16x425984xf32, #tpu.memory_space<hbm>> -> memref<16x256xf32, #tpu.memory_space<hbm>>
    %dma_wait3A_250 = arith.constant 0 : i32
    %dma_wait3A_251 = arith.constant 0 : i32
    %dma_wait3A_252 = tpu.memref_slice %arg8[%dma_wait3A, %dma_wait3A_250, %dma_wait3A_251] : memref<2x16x256xf32, #tpu.memory_space<vmem>> -> memref<1x16x256xf32, #tpu.memory_space<vmem>>
    %dma_wait3A_253 = tpu.memref_squeeze %dma_wait3A_252 : memref<1x16x256xf32, #tpu.memory_space<vmem>> -> memref<16x256xf32, #tpu.memory_space<vmem>>
    tpu.wait_dma2 semaphore(%arg10 : memref<!tpu.dma_semaphore, #tpu.memory_space<semaphore_mem>>) src(%dma_wait3A_253 : memref<16x256xf32, #tpu.memory_space<vmem>>) dst(%dma_wait3A_249 : memref<16x256xf32, #tpu.memory_space<hbm>>)
    %add3A_254 = arith.constant 13056 : i32
    %add3A_255 = arith.addi %mul3A_4, %add3A_254 : i32
    %dma_wait3A_256 = arith.constant 1 : i32
    %dma_wait3A_257 = arith.constant 0 : i32
    %dma_wait3A_258 = arith.constant 0 : i32
    %dma_wait3A_259 = tpu.memref_slice %arg8[%dma_wait3A_256, %dma_wait3A_257, %dma_wait3A_258] : memref<2x16x256xf32, #tpu.memory_space<vmem>> -> memref<1x16x256xf32, #tpu.memory_space<vmem>>
    %dma_wait3A_260 = tpu.memref_squeeze %dma_wait3A_259 : memref<1x16x256xf32, #tpu.memory_space<vmem>> -> memref<16x256xf32, #tpu.memory_space<vmem>>
    %dma_wait3A_261 = arith.constant 0 : i32
    %dma_wait3A_262 = tpu.memref_slice %arg4[%dma_wait3A_261, %add3A_255] : memref<16x425984xf32, #tpu.memory_space<hbm>> -> memref<16x256xf32, #tpu.memory_space<hbm>>
    %dma_wait3A_263 = arith.constant 0 : i32
    %dma_wait3A_264 = tpu.memref_slice %arg4[%dma_wait3A_263, %add3A_255] : memref<16x425984xf32, #tpu.memory_space<hbm>> -> memref<16x256xf32, #tpu.memory_space<hbm>>
    %dma_wait3A_265 = arith.constant 0 : i32
    %dma_wait3A_266 = arith.constant 0 : i32
    %dma_wait3A_267 = tpu.memref_slice %arg8[%dma_wait3A_256, %dma_wait3A_265, %dma_wait3A_266] : memref<2x16x256xf32, #tpu.memory_space<vmem>> -> memref<1x16x256xf32, #tpu.memory_space<vmem>>
    %dma_wait3A_268 = tpu.memref_squeeze %dma_wait3A_267 : memref<1x16x256xf32, #tpu.memory_space<vmem>> -> memref<16x256xf32, #tpu.memory_space<vmem>>
    tpu.wait_dma2 semaphore(%arg10 : memref<!tpu.dma_semaphore, #tpu.memory_space<semaphore_mem>>) src(%dma_wait3A_268 : memref<16x256xf32, #tpu.memory_space<vmem>>) dst(%dma_wait3A_264 : memref<16x256xf32, #tpu.memory_space<hbm>>)
    return
  }
}

</mosaic_0001>

<sc_bundles>
// kernel: kernel.3.cloned.1.call-start
scs
__scs_entry_jumppad:
0x0: {  	(pc) =	sbr.rel $0x88, $3  }
0x1: {  	(tag) =	ssettag $0x0;
	lr =	simm.s32 $0x1  }
0x2: {  	[smem:$0x3F9F] =	sst lr;
	_ =	strace $0xD0000000  }
0x3: {  	_ = 	snop  }
0x4: {  	_ = 	snop  }
0x5: {  	_ = 	snop  }
0x6: {  	_ = 	snop  }
0x7: {  	_ = 	snop  }
__scs_overlays_trampoline_lowered:
0x8: {  	[smem:$0x3FAE] =	sst s0  }
0x9: {  	[smem:$0x3FAF] =	sst s1  }
0xa: {  	[smem:$0x3FB0] =	sst s2  }
0xb: {  	[smem:$0x3FB1] =	sst s3  }
0xc: {  	[smem:$0x3FB2] =	sst s4  }
0xd: {  	[smem:$0x3FB3] =	sst s5  }
0xe: {  	[smem:$0x3FB4] =	sst s6  }
0xf: {  	[smem:$0x3FB5] =	sst s7  }
0x10: {  	[smem:$0x3FB6] =	sst s8  }
0x11: {  	[smem:$0x3FB7] =	sst s9;
	s0 =	simm.s32 @!p0 $0x0  }
0x12: {  	s1 =	sld [smem:$0x3F9D];
	s0 =	simm.s32 @p0 $0x1  }
0x13: {  	[smem:$0x3FB8] =	sst s0;
	s0 =	simm.s32 @!p1 $0x0  }
0x14: {  	s2 =	sld [smem:$0x3F9C];
	s0 =	simm.s32 @p1 $0x1  }
0x15: {  	[smem:$0x3FB9] =	sst s0;
	s0 =	simm.s32 @!p2 $0x0  }
0x16: {  	s3 =	sld [smem:$0x3FDB];
	s0 =	simm.s32 @p2 $0x1  }
0x17: {  	s4 =	simm.s32 $0x1BF5;
	[smem:$0x3FBB] =	sst s0  }
0x18: {  	s0 =	sld [smem:$0x3F9E];
	_ =	swait.ge [sflag:s4], $0x0  }
0x19: {  	s7 =	sld [smem:$0x3F9F]  }
0x1a: {  	s8 =	sadd.s32 $0xFFFFE003, lr  }
0x1b: {  	s9 =	sadd.s32 $0xFFFFFEF7, lr;
	s5 =	simm.s32 $0xFFFFFFFF;
	p2 =	slt.u32 s8, $0xFFFFF086  }
0x1c: {  	p1 =	slt.u32 s9, $0xF7A;
	s5 =	simm.s32 @!p2 $0x0  }
0x1d: {  	s5 =	simm.s32 @p1 $0x1;
	p0 =	seq.s32 s7, s2  }
0x1e: {  	s7 =	smul.u32 @!p0 $0xF7A, s2;
	p2 =	seq.s32 @!p0 s5, $0x0  }
0x1f: {  	s9 =	smul.u32 $0xF7A, s1;
	s8 =	simm.s32 @!p0 $0x1BF5;
	p2 =	por !p2, p0  }
0x20: {  	[sflag:s8] =	ssyncset.s32 @!p0 $0xFFFFF086;
	s6 =	sadd.s32 @!p0 s3, s7;
	s7 =	simm.s32 @!p0 $0x108  }
0x21: {  	s3 =	sadd.s32 s3, s9;
	s6 =	sadd.s32 @!p0 $0x88, s6;
	s7 =	simm.s32 @p2 $0x1082  }
0x22: {  	[simem:s7], [sflag:s8] =	dma.local @!p0 [hbm:s6], $0xF7A  }
0x23: {  	s9 =	sor.u32 $0xD0000000, s2;
	s6 =	simm.s32 $0x108;
	_ =	swait.ge @!p0 [sflag:s8], $0x0  }
0x24: {  	s3 =	sadd.s32 $0x88, s3;
	s6 =	simm.s32 @!p1 $0x1082;
	[sflag:s4] =	ssyncset.s32 $0xFFFFF086  }
0x25: {  	[simem:s6], [sflag:s4] =	dma.local [hbm:s3], $0xF7A  }
0x26: {  	[smem:$0x3F9F] =	sst s1;
	(tag) =	ssettag s2;
	_ =	strace s9  }
0x27: {  	s1 =	sld [smem:$0x3FAF]  }
0x28: {  	s2 =	sld [smem:$0x3FB0]  }
0x29: {  	s4 =	sld [smem:$0x3FB2]  }
0x2a: {  	p0 =	seq.s32 s5, $0x0;
	s5 =	sld [smem:$0x3FB3]  }
0x2b: {  	s6 =	sld [smem:$0x3FB4]  }
0x2c: {  	s7 =	sld [smem:$0x3FB5]  }
0x2d: {  	s3 =	simm.s32 $0x108;
	s8 =	sld [smem:$0x3FB6]  }
0x2e: {  	s3 =	simm.s32 @!p0 $0x1082;
	s9 =	sld [smem:$0x3FB7]  }
0x2f: {  	lr =	sadd.s32 s0, s3;
	s0 =	sld [smem:$0x3FAE]  }
0x30: {  	s3 =	sld [smem:$0x3FB1]  }
0x31: {  	[smem:$0x3FBA] =	sst s10  }
0x32: {  	s10 =	sld [smem:$0x3FB8];
	_ =	sdelay $0x3  }
0x33: {  	p0 =	seq.s32 s10, $0x1;
	s10 =	sld [smem:$0x3FBA];
	_ =	sdelay $0x3  }
0x34: {  	[smem:$0x3FBA] =	sst s10  }
0x35: {  	s10 =	sld [smem:$0x3FB9];
	_ =	sdelay $0x3  }
0x36: {  	p1 =	seq.s32 s10, $0x1;
	s10 =	sld [smem:$0x3FBA];
	_ =	sdelay $0x3  }
0x37: {  	[smem:$0x3FBA] =	sst s10  }
0x38: {  	s10 =	sld [smem:$0x3FBB]  }
0x39: {  	_ = 	snop;
	(pc) =	sbr.ind lr, $3  }
0x3a: {  	_ = 	snop  }
0x3b: {  	_ = 	snop  }
0x3c: {  	p2 =	seq.s32 s10, $0x1;
	s10 =	sld [smem:$0x3FBA]  }
0x3d: {  	_ =	shalt  }
0x3e: {  	_ =	shalt  }
0x3f: {  	_ =	shalt  }
0x40: {  	_ =	shalt  }
0x41: {  	_ =	shalt  }
0x42: {  	_ =	shalt  }
0x43: {  	_ =	shalt  }
0x44: {  	_ =	shalt  }
0x45: {  	_ =	shalt  }
0x46: {  	_ =	shalt  }
0x47: {  	_ =	shalt  }
0x48: {  	_ =	shalt  }
0x49: {  	_ =	shalt  }
0x4a: {  	_ =	shalt  }
0x4b: {  	_ =	shalt  }
0x4c: {  	_ =	shalt  }
0x4d: {  	_ =	shalt  }
0x4e: {  	_ =	shalt  }
0x4f: {  	_ =	shalt  }
0x50: {  	_ =	shalt  }
0x51: {  	_ =	shalt  }
0x52: {  	_ =	shalt  }
0x53: {  	_ =	shalt  }
0x54: {  	_ =	shalt  }
0x55: {  	_ =	shalt  }
0x56: {  	_ =	shalt  }
0x57: {  	_ =	shalt  }
0x58: {  	_ =	shalt  }
0x59: {  	_ =	shalt  }
0x5a: {  	_ =	shalt  }
0x5b: {  	_ =	shalt  }
0x5c: {  	_ =	shalt  }
0x5d: {  	_ =	shalt  }
0x5e: {  	_ =	shalt  }
0x5f: {  	_ =	shalt  }
0x60: {  	_ =	shalt  }
0x61: {  	_ =	shalt  }
0x62: {  	_ =	shalt  }
0x63: {  	_ =	shalt  }
0x64: {  	_ =	shalt  }
0x65: {  	_ =	shalt  }
0x66: {  	_ =	shalt  }
0x67: {  	_ =	shalt  }
0x68: {  	_ =	shalt  }
0x69: {  	_ =	shalt  }
0x6a: {  	_ =	shalt  }
0x6b: {  	_ =	shalt  }
0x6c: {  	_ =	shalt  }
0x6d: {  	_ =	shalt  }
0x6e: {  	_ =	shalt  }
0x6f: {  	_ =	shalt  }
0x70: {  	_ =	shalt  }
0x71: {  	_ =	shalt  }
0x72: {  	_ =	shalt  }
0x73: {  	_ =	shalt  }
0x74: {  	_ =	shalt  }
0x75: {  	_ =	shalt  }
0x76: {  	_ =	shalt  }
0x77: {  	_ =	shalt  }
0x78: {  	_ =	shalt  }
0x79: {  	_ =	shalt  }
0x7a: {  	_ =	shalt  }
0x7b: {  	_ =	shalt  }
0x7c: {  	_ =	shalt  }
0x7d: {  	_ =	shalt  }
0x7e: {  	_ =	shalt  }
0x7f: {  	_ =	shalt  }
0x80: {  	_ =	shalt  }
0x81: {  	_ =	shalt  }
0x82: {  	_ =	shalt  }
0x83: {  	_ =	shalt  }
0x84: {  	_ =	shalt  }
0x85: {  	_ =	shalt  }
0x86: {  	_ =	shalt  }
0x87: {  	_ =	shalt  }
.Lfunc_end0:
.L_simem_size_0:
called_computation_lowered:
.L_overlay_start_0:
0x88: {  	s2 =	sld [smem:$0x3FD9]  }
0x89: {  	s3 =	sld [smem:$0x3FFE];
	_ =	sdelay $0x1  }
0x8a: {  	s1 =	srdreg.scid  }
0x8b: {  	s0 =	sand.u32 $0x1, s1  }
0x8c: {  	s17 =	sshll.u32 s0, $0xA;
	s2 =	sadd.s32 s3, s2  }
0x8d: {  	s2 =	sadd.s32 s2, s17  }
0x8e: {  	[smem:$0x3FC6] =	sst s2  }
0x8f: {  	_ = 	snop  }
0x90: {  	s2 =	sld [smem:$0x3FD0];
	(tm) =	ssettm $0x1  }
0x91: {  	s18 =	sld [smem:$0x3FFB];
	_ =	sdelay $0x3  }
0x92: {  	_ =	strace s18  }
0x93: {  	s3 =	sld [smem:$0x3FFC];
	_ =	sdelay $0x3  }
0x94: {  	_ =	strace s3  }
0x95: {  	s3 =	sld [smem:$0x3FFD];
	_ =	sdelay $0x3  }
0x96: {  	_ =	strace s3  }
0x97: {  	_ =	strace $0x8FFFFFFF  }
0x98: {  	s19 =	sld [smem:$0x3FDB];
	_ =	sdelay $0x1  }
0x99: {  	s4 =	simm.s32 $_scs_section_size  }
0x9a: {  	s5 =	simm.s32 $_size__tile_overlayer_lowered;
	s6 =	simm.s32 $_tile_overlayer_lowered  }
0x9b: {  	s22 =	simm.s32 $0x1BFF;
	s21 =	sshll.u32 s6, $0x1;
	s3 =	sadd.s32 s4, s19  }
0x9c: {  	s7 =	simm.s32 $0x0;
	s20 =	sshll.u32 s5, $0x1;
	s5 =	sadd.s32 s21, s3  }
0x9d: {  	[timem:s7], [sflag:s22] =	dma.local [hbm:s5], s20  }
0x9e: {  	_ =	swait.ge [sflag:s22], s20  }
0x9f: {  	s4 =	ssub.s32 $0x0, s20;
	[sflag:s22] =	ssyncset.done $0x0  }
0xa0: {  	[sflag:s22] =	ssyncadd.s32 s4;
	_ =	sdelay $0x1  }
0xa1: {  	s23 =	simm.s32 $0x1B8B  }
0xa2: {  	_ =	swait.ge [sflag:s23], $0x1  }
0xa3: {  	[sflag:s23] =	ssyncset.done $0x0  }
0xa4: {  	s25 =	simm.s32 $0x1B8E;
	s24 =	sld [smem:$0x3FFE];
	[sflag:s23] =	ssyncadd.s32 $0xFFFFFFFF  }
0xa5: {  	s26 =	simm.s32 $execute0_lowered;
	[smem:$0x3FD2] =	sst s25  }
0xa6: {  	s5 =	sshll.u32 s26, $0x1;
	_ =	strace $0x80000046;
	[dreg:$0x1] =	wrdreg $0xFFFFFFFF  }
0xa7: {  	s28 =	simm.s32 $_size_execute0_lowered;
	s3 =	sadd.s32 s3, s5;
	[dreg:$0x0] =	wrdreg $0x0  }
0xa8: {  	s5 =	sshll.u32 s28, $0x1;
	[dreg:$0x2] =	wrdreg s3  }
0xa9: {  	[dreg:$0x3] =	wrdreg s5  }
0xaa: {  	[dreg:$0x4] =	wrdreg $0xC0  }
0xab: {  	_ =	task [dreg:s7], $0x5FFFF  }
0xac: {  	[dreg:$0x1] =	wrdreg $0xFFFFFFFF  }
0xad: {  	[dreg:$0x0] =	wrdreg $0x60  }
0xae: {  	[dreg:$0x2] =	wrdreg s24  }
0xaf: {  	[dreg:$0x3] =	wrdreg s2  }
0xb0: {  	[dreg:$0x4] =	wrdreg $0x9  }
0xb1: {  	_ =	task.clear_ibuf [dreg:s7], $0x5FFFF;
	_ =	strace $0x90000046  }
0xb2: {  	s29 =	simm.s32 $0x9;
	_ =	strace $0x80000048  }
0xb3: {  	_ =	swait.ge [sflag:s29], $0x1  }
0xb4: {  	[sflag:s29] =	ssyncadd.s32 $0xFFFFFFFF  }
0xb5: {  	_ =	strace $0x90000048  }
0xb6: {  	_ =	sfence  }
0xb7: {  	s30 =	sld [smem:$0x0];
	_ =	sdelay $0x2  }
0xb8: {  	s31 =	sshll.u32 s1, $0xD;
	s1 =	sshrl.u32 s1, $0x2  }
0xb9: {  	s3 =	sand.u32 $0x4000, s31;
	s1 =	sadd.s32 s1, s30  }
0xba: {  	s0 =	sor.u32 s3, s0;
	s1 =	sshll.u32 s1, $0x11  }
0xbb: {  	s0 =	sor.u32 s1, s0  }
0xbc: {  	s0 =	sadd.s32 $0x8F2B, s0  }
0xbd: {  	[sflag:s0] =	ssyncadd.remote.s32 $0x1  }
0xbe: {  	_ =	sfence.sel $0xFFFF  }
0xbf: {  	[dreg:$0x0] =	wrdreg $0xFFFFFFFF;
	(pc) =	sbr.abs _section_cstart, $3  }
0xc0: {  	[dreg:$0x1] =	wrdreg $0xFFFFFFFF  }
0xc1: {  	_ =	task.clear_ibuf [dreg:s7], $0x2FFFF;
	_ =	strace $0x9FFFFFFF  }
0xc2: {  	(tm) =	ssettm $0x7FFFFFFF  }
0xc3: {  	_ =	shalt  }
tec
execute0_lowered:
.L_overlay_start_1:
0x0: {  	(tag) =	ssettag $0x1  }
0x1: {  	s4 =	rddreg [dreg:$0x0];
	s1 =	srdreg.scid  }
0x2: {  	s0 =	stileid.u32;
	s2 =	rddreg [dreg:$0x1]  }
0x3: {  	s3 =	simm.s32 $0x0;
	s9 =	simm.s32 $0x3400;
	s10 =	simm.s32 $0x80  }
0x4: {  	s11 =	simm.s32 $0x3600;
	s12 =	simm.s32 $0x3480;
	s13 =	simm.s32 $0x7600  }
0x5: {  	s14 =	simm.s32 $0x1;
	s15 =	simm.s32 $0x800;
	s16 =	simm.s32 $0x340000  }
0x6: {  	v0 =	vlaneseq.u32;
	s17 =	simm.s32 $0x2;
	s5 =	sand.u32 $0x1, s1;
	s6 =	sshll.u32 s0, $0x1  }
0x7: {  	s18 =	simm.s32 $0x0;
	s1 =	rddreg [dreg:$0x2];
	v1 =	vor.u32 $0x10, v0;
	v2 =	vor.u32 $0x20, v0;
	v3 =	vor.u32 $0x30, v0;
	s6 =	sor.u32 s5, s6  }
0x8: {  	[smem:$0x7FF] =	sst s3;
	v4 =	vor.u32 $0x40, v0;
	v5 =	vor.u32 $0x50, v0;
	v6 =	vor.u32 $0x60, v0;
	s5 =	ssub.s32 $0x2, s5;
	s7 =	smul.u32 $0x680, s6  }
0x9: {  	v7 =	vor.u32 $0x70, v0;
	v8 =	vor.u32 $0x80, v0;
	v9 =	vor.u32 $0x90, v0;
	_ =	strace $0x80000047;
	s8 =	sshrl.u32 s5, $0x1;
	s6 =	smul.u32 $0x1A000, s6  }
0xa: {  	v10 =	vor.u32 $0xA0, v0;
	v11 =	vor.u32 $0xB0, v0;
	v12 =	vor.u32 $0xC0, v0;
	s8 =	ssub.s32 s5, s8;
	s7 =	sadd.s32 s7, s4;
	s4 =	sadd.s32 $0xF42A00, s4  }
0xb: {  	v13 =	vor.u32 $0xD0, v0;
	v14 =	vor.u32 $0xE0, v0;
	v15 =	vor.u32 $0xF0, v0;
	s5 =	sadd.s32 $0x600, s7;
	s7 =	smax.u32 s8, $0x1;
	s8 =	simm.s32 $0x3  }
.LBB2_1:
0xc: {  	[tilespmem:s3], [sflag:$0x3] =	stream.linear.gather [hbm4b:s5+s3], $0x3400, $0x38;
	[tilespmem:$0x15600] =	vst v63  }
0xd: {  	_ =	swait.ge [sflag:s8], $0x3400  }
0xe: {  	[sflag:s8] =	ssyncset.done $0x0  }
0xf: {  	[sflag:s8] =	ssyncadd.s32 $0xFFFFCC00  }
0x10: {  	v16 =	vld.idx.msk [tilespmem:v0+s3+$0x0], $0xffff;
	_ =	sdelay $0x4  }
0x11: {  	v16 =	vshrl.u32 v16, $0x3  }
0x12: {  	[tilespmem:v0+s9+$0x0] =	vst.idx.msk $0xffff, v16  }
0x13: {  	v16 =	vld.idx.msk [tilespmem:v1+s3+$0x0], $0xffff;
	_ =	sdelay $0x4  }
0x14: {  	v16 =	vshrl.u32 v16, $0x3  }
0x15: {  	[tilespmem:v1+s9+$0x0] =	vst.idx.msk $0xffff, v16  }
0x16: {  	v16 =	vld.idx.msk [tilespmem:v2+s3+$0x0], $0xffff;
	_ =	sdelay $0x4  }
0x17: {  	v16 =	vshrl.u32 v16, $0x3  }
0x18: {  	[tilespmem:v2+s9+$0x0] =	vst.idx.msk $0xffff, v16  }
0x19: {  	v16 =	vld.idx.msk [tilespmem:v3+s3+$0x0], $0xffff;
	_ =	sdelay $0x4  }
0x1a: {  	v16 =	vshrl.u32 v16, $0x3  }
0x1b: {  	[tilespmem:v3+s9+$0x0] =	vst.idx.msk $0xffff, v16  }
0x1c: {  	v16 =	vld.idx.msk [tilespmem:v4+s3+$0x0], $0xffff;
	_ =	sdelay $0x4  }
0x1d: {  	v16 =	vshrl.u32 v16, $0x3  }
0x1e: {  	[tilespmem:v4+s9+$0x0] =	vst.idx.msk $0xffff, v16  }
0x1f: {  	v16 =	vld.idx.msk [tilespmem:v5+s3+$0x0], $0xffff;
	_ =	sdelay $0x4  }
0x20: {  	v16 =	vshrl.u32 v16, $0x3  }
0x21: {  	[tilespmem:v5+s9+$0x0] =	vst.idx.msk $0xffff, v16  }
0x22: {  	v16 =	vld.idx.msk [tilespmem:v6+s3+$0x0], $0xffff;
	_ =	sdelay $0x4  }
0x23: {  	v16 =	vshrl.u32 v16, $0x3  }
0x24: {  	[tilespmem:v6+s9+$0x0] =	vst.idx.msk $0xffff, v16  }
0x25: {  	v16 =	vld.idx.msk [tilespmem:v7+s3+$0x0], $0xffff;
	_ =	sdelay $0x4  }
0x26: {  	v16 =	vshrl.u32 v16, $0x3  }
0x27: {  	[tilespmem:v7+s9+$0x0] =	vst.idx.msk $0xffff, v16  }
0x28: {  	v16 =	vld.idx.msk [tilespmem:v8+s3+$0x0], $0xffff;
	_ =	sdelay $0x4  }
0x29: {  	v16 =	vshrl.u32 v16, $0x3  }
0x2a: {  	[tilespmem:v8+s9+$0x0] =	vst.idx.msk $0xffff, v16  }
0x2b: {  	v16 =	vld.idx.msk [tilespmem:v9+s3+$0x0], $0xffff;
	_ =	sdelay $0x4  }
0x2c: {  	v16 =	vshrl.u32 v16, $0x3  }
0x2d: {  	[tilespmem:v9+s9+$0x0] =	vst.idx.msk $0xffff, v16  }
0x2e: {  	v16 =	vld.idx.msk [tilespmem:v10+s3+$0x0], $0xffff;
	_ =	sdelay $0x4  }
0x2f: {  	v16 =	vshrl.u32 v16, $0x3  }
0x30: {  	[tilespmem:v10+s9+$0x0] =	vst.idx.msk $0xffff, v16  }
0x31: {  	v16 =	vld.idx.msk [tilespmem:v11+s3+$0x0], $0xffff;
	_ =	sdelay $0x4  }
0x32: {  	v16 =	vshrl.u32 v16, $0x3  }
0x33: {  	[tilespmem:v11+s9+$0x0] =	vst.idx.msk $0xffff, v16  }
0x34: {  	v16 =	vld.idx.msk [tilespmem:v12+s3+$0x0], $0xffff;
	_ =	sdelay $0x4  }
0x35: {  	v16 =	vshrl.u32 v16, $0x3  }
0x36: {  	[tilespmem:v12+s9+$0x0] =	vst.idx.msk $0xffff, v16  }
0x37: {  	v16 =	vld.idx.msk [tilespmem:v13+s3+$0x0], $0xffff;
	_ =	sdelay $0x4  }
0x38: {  	v16 =	vshrl.u32 v16, $0x3  }
0x39: {  	[tilespmem:v13+s9+$0x0] =	vst.idx.msk $0xffff, v16  }
0x3a: {  	v16 =	vld.idx.msk [tilespmem:v14+s3+$0x0], $0xffff;
	_ =	sdelay $0x4  }
0x3b: {  	v16 =	vshrl.u32 v16, $0x3  }
0x3c: {  	[tilespmem:v14+s9+$0x0] =	vst.idx.msk $0xffff, v16  }
0x3d: {  	v16 =	vld.idx.msk [tilespmem:v15+s3+$0x0], $0xffff;
	_ =	sdelay $0x4  }
0x3e: {  	v16 =	vshrl.u32 v16, $0x3  }
0x3f: {  	[tilespmem:v15+s9+$0x0] =	vst.idx.msk $0xffff, v16  }
0x40: {  	[tilespmem:s11], [sflag:$0x1] =	stream.indirect.gather [hbm4b:s4+s10], $0x80, s9, s10, $0xb8;
	[tilespmem:$0x15600] =	vst v63  }
0x41: {  	s20 =	simm.s32 $0x0  }
0x42: {  	[tilespmem:s13], [sflag:$0x1] =	stream.indirect.gather [hbm4b:s4+s10], $0x80, s12, s10, $0xb8;
	[tilespmem:$0x15600] =	vst v63  }
.LBB2_2:
0x43: {  	p0 =	seq.s32 s20, $0x33  }
.Ltmp0:
0x44: {  	_ = 	snop;
	(pc) =	sbr.rel @p0 .LBB2_4-.Ltmp0, $2  }
0x45: {  	_ =	sdelay $0x2  }
0x46: {  	s22 =	sand.u32 $0x1, s20;
	s19 =	sadd.s32 $0x1, s20  }
0x47: {  	s24 =	sshll.u32 s19, $0x8  }
0x48: {  	v16 =	vor.u32 s24, v0;
	_ =	sdelay $0x3  }
0x49: {  	s23 =	sxor.u32 $0x1, s22  }
0x4a: {  	s21 =	sshll.u32 s23, $0x8;
	v16 =	vld.idx.msk [tilespmem:v16+s3+$0x0], $0xffff  }
0x4b: {  	v17 =	vor.u32 s21, v0  }
0x4c: {  	v18 =	vor.u32 s24, v1;
	_ =	sdelay $0x2  }
0x4d: {  	v16 =	vshrl.u32 v16, $0x3  }
0x4e: {  	[tilespmem:v17+s9+$0x0] =	vst.idx.msk $0xffff, v16  }
0x4f: {  	v16 =	vld.idx.msk [tilespmem:v18+s3+$0x0], $0xffff  }
0x50: {  	v17 =	vor.u32 s21, v1  }
0x51: {  	v50 =	vor.u32 s24, v2;
	_ =	sdelay $0x2  }
0x52: {  	v16 =	vshrl.u32 v16, $0x3  }
0x53: {  	[tilespmem:v17+s9+$0x0] =	vst.idx.msk $0xffff, v16  }
0x54: {  	v16 =	vld.idx.msk [tilespmem:v50+s3+$0x0], $0xffff  }
0x55: {  	v17 =	vor.u32 s21, v2  }
0x56: {  	v51 =	vor.u32 s24, v3;
	_ =	sdelay $0x2  }
0x57: {  	v16 =	vshrl.u32 v16, $0x3  }
0x58: {  	[tilespmem:v17+s9+$0x0] =	vst.idx.msk $0xffff, v16  }
0x59: {  	v16 =	vld.idx.msk [tilespmem:v51+s3+$0x0], $0xffff  }
0x5a: {  	v17 =	vor.u32 s21, v3  }
0x5b: {  	v52 =	vor.u32 s24, v4;
	_ =	sdelay $0x2  }
0x5c: {  	v16 =	vshrl.u32 v16, $0x3  }
0x5d: {  	[tilespmem:v17+s9+$0x0] =	vst.idx.msk $0xffff, v16  }
0x5e: {  	v16 =	vld.idx.msk [tilespmem:v52+s3+$0x0], $0xffff  }
0x5f: {  	v17 =	vor.u32 s21, v4  }
0x60: {  	v53 =	vor.u32 s24, v5;
	_ =	sdelay $0x2  }
0x61: {  	v16 =	vshrl.u32 v16, $0x3  }
0x62: {  	[tilespmem:v17+s9+$0x0] =	vst.idx.msk $0xffff, v16  }
0x63: {  	v16 =	vld.idx.msk [tilespmem:v53+s3+$0x0], $0xffff  }
0x64: {  	v17 =	vor.u32 s21, v5  }
0x65: {  	v54 =	vor.u32 s24, v6;
	_ =	sdelay $0x2  }
0x66: {  	v16 =	vshrl.u32 v16, $0x3  }
0x67: {  	[tilespmem:v17+s9+$0x0] =	vst.idx.msk $0xffff, v16  }
0x68: {  	v16 =	vld.idx.msk [tilespmem:v54+s3+$0x0], $0xffff  }
0x69: {  	v17 =	vor.u32 s21, v6  }
0x6a: {  	v55 =	vor.u32 s24, v7;
	_ =	sdelay $0x2  }
0x6b: {  	v16 =	vshrl.u32 v16, $0x3  }
0x6c: {  	[tilespmem:v17+s9+$0x0] =	vst.idx.msk $0xffff, v16  }
0x6d: {  	v16 =	vld.idx.msk [tilespmem:v55+s3+$0x0], $0xffff  }
0x6e: {  	s24 =	sor.u32 $0x80, s24;
	v17 =	vor.u32 s21, v7  }
0x6f: {  	v56 =	vor.u32 s24, v0;
	_ =	sdelay $0x2  }
0x70: {  	v16 =	vshrl.u32 v16, $0x3  }
0x71: {  	[tilespmem:v17+s9+$0x0] =	vst.idx.msk $0xffff, v16  }
0x72: {  	v16 =	vld.idx.msk [tilespmem:v56+s3+$0x0], $0xffff  }
0x73: {  	v17 =	vor.u32 s21, v8  }
0x74: {  	v57 =	vor.u32 s24, v1;
	_ =	sdelay $0x2  }
0x75: {  	v16 =	vshrl.u32 v16, $0x3  }
0x76: {  	[tilespmem:v17+s9+$0x0] =	vst.idx.msk $0xffff, v16  }
0x77: {  	v16 =	vld.idx.msk [tilespmem:v57+s3+$0x0], $0xffff  }
0x78: {  	v17 =	vor.u32 s21, v9  }
0x79: {  	v58 =	vor.u32 s24, v2;
	_ =	sdelay $0x2  }
0x7a: {  	v16 =	vshrl.u32 v16, $0x3  }
0x7b: {  	[tilespmem:v17+s9+$0x0] =	vst.idx.msk $0xffff, v16  }
0x7c: {  	v16 =	vld.idx.msk [tilespmem:v58+s3+$0x0], $0xffff  }
0x7d: {  	v17 =	vor.u32 s21, v10  }
0x7e: {  	v59 =	vor.u32 s24, v3;
	_ =	sdelay $0x2  }
0x7f: {  	v16 =	vshrl.u32 v16, $0x3  }
0x80: {  	[tilespmem:v17+s9+$0x0] =	vst.idx.msk $0xffff, v16  }
0x81: {  	v16 =	vld.idx.msk [tilespmem:v59+s3+$0x0], $0xffff  }
0x82: {  	v17 =	vor.u32 s21, v11  }
0x83: {  	v60 =	vor.u32 s24, v4;
	_ =	sdelay $0x2  }
0x84: {  	v16 =	vshrl.u32 v16, $0x3  }
0x85: {  	[tilespmem:v17+s9+$0x0] =	vst.idx.msk $0xffff, v16  }
0x86: {  	v16 =	vld.idx.msk [tilespmem:v60+s3+$0x0], $0xffff  }
0x87: {  	v17 =	vor.u32 s21, v12  }
0x88: {  	v61 =	vor.u32 s24, v5;
	_ =	sdelay $0x2  }
0x89: {  	v16 =	vshrl.u32 v16, $0x3  }
0x8a: {  	[tilespmem:v17+s9+$0x0] =	vst.idx.msk $0xffff, v16  }
0x8b: {  	v16 =	vld.idx.msk [tilespmem:v61+s3+$0x0], $0xffff  }
0x8c: {  	v17 =	vor.u32 s21, v13  }
0x8d: {  	v62 =	vor.u32 s24, v6;
	_ =	sdelay $0x2  }
0x8e: {  	v16 =	vshrl.u32 v16, $0x3  }
0x8f: {  	[tilespmem:v17+s9+$0x0] =	vst.idx.msk $0xffff, v16  }
0x90: {  	v16 =	vld.idx.msk [tilespmem:v62+s3+$0x0], $0xffff  }
0x91: {  	v17 =	vor.u32 s21, v14  }
0x92: {  	v63 =	vor.u32 s24, v7;
	_ =	sdelay $0x2  }
0x93: {  	v16 =	vshrl.u32 v16, $0x3  }
0x94: {  	[tilespmem:v17+s9+$0x0] =	vst.idx.msk $0xffff, v16  }
0x95: {  	v16 =	vld.idx.msk [tilespmem:v63+s3+$0x0], $0xffff  }
0x96: {  	v17 =	vor.u32 s21, v15;
	_ =	sdelay $0x3  }
0x97: {  	s23 =	sshll.u32 s23, $0xF;
	v16 =	vshrl.u32 v16, $0x3  }
0x98: {  	s31 =	sor.u32 $0x3600, s23;
	s25 =	sor.u32 $0x3400, s21;
	[tilespmem:v17+s9+$0x0] =	vst.idx.msk $0xffff, v16  }
0x99: {  	[tilespmem:s31], [sflag:$0x1] =	stream.indirect.gather [hbm4b:s4+s10], $0x80, s25, s10, $0xb8;
	[tilespmem:$0x15600] =	vst v63  }
0x9a: {  	s23 =	sor.u32 $0x7600, s23;
	s21 =	sor.u32 $0x3480, s21  }
0x9b: {  	[tilespmem:s23], [sflag:$0x1] =	stream.indirect.gather [hbm4b:s4+s10], $0x80, s21, s10, $0xb8;
	[tilespmem:$0x15600] =	vst v63  }
.LBB2_4:
0x9c: {  	_ =	swait.ge [sflag:s14], $0x4000;
	s23 =	sshll.u32 s20, $0x1  }
0x9d: {  	s21 =	simm.s32 $0x0;
	[sflag:s14] =	ssyncset.done $0x0;
	s24 =	sadd.s32 $0x0, s23  }
0x9e: {  	s25 =	sand.u32 $0x70, s21;
	[sflag:s14] =	ssyncadd.s32 $0xFFFFC000;
	s24 =	sshll.u32 s24, $0x7  }
0x9f: {  	_ =	swait.ge [sflag:s14], $0x4000;
	s24 =	sor.u32 s25, s24  }
0xa0: {  	p0 =	slt.u32 s20, $0x2;
	[sflag:s14] =	ssyncset.done $0x0;
	v16 =	vor.u32 s24, v0  }
0xa1: {  	s24 =	simm.s32 @!p0 $0x2;
	[sflag:s14] =	ssyncadd.s32 $0xFFFFC000  }
0xa2: {  	_ =	swait.ge @!p0 [sflag:s24], $0x1000  }
0xa3: {  	[sflag:s24] =	ssyncset.done @!p0 $0x0  }
0xa4: {  	[sflag:s24] =	ssyncadd.s32 @!p0 $0xFFFFF000  }
0xa5: {  	v16 =	vld.idx.msk [tilespmem:v16+s3+$0x0], $0xffff;
	_ =	sdelay $0x4  }
0xa6: {  	v17 =	vshra.s32 v16, $0x1F  }
0xa7: {  	v17 =	vshrl.u32 v17, $0x1D  }
0xa8: {  	v17 =	vadd.s32 v17, v16  }
0xa9: {  	v17 =	vshrl.u32 v17, $0x3  }
0xaa: {  	v17 =	vshll.u32 v17, $0x3  }
0xab: {  	v16 =	vsub.s32 v16, v17  }
0xac: {  	v17 =	vor.u32 s21, v0;
	v16 =	vshll.u32 v16, $0x4  }
0xad: {  	v19 =	vshll.u32 v17, $0x7;
	v18 =	vand.u32 $0xFFFFFF80, v16  }
0xae: {  	v16 =	vand.u32 $0x70, v16;
	v18 =	vadd.s32 v19, v18  }
0xaf: {  	v16 =	vor.u32 v16, v18;
	_ =	sdelay $0x1  }
0xb0: {  	v18 =	vmov s21  }
0xb1: {  	s29 =	sshll.u32 s22, $0xF;
	v18 =	vshll.u32 v18, $0x3  }
0xb2: {  	v17 =	vand.u32 $0x7F, v17;
	s21 =	sor.u32 $0x3600, s29;
	v19 =	vand.u32 $0x400, v18  }
0xb3: {  	v19 =	vor.u32 v17, v19;
	v20 =	vld.idx.msk [tilespmem:v16+s21+$0x0], $0xffff  }
0xb4: {  	v21 =	vor.u32 $0x1, v16;
	_ =	sdelay $0x1  }
0xb5: {  	s30 =	sshll.u32 s22, $0xC  }
0xb6: {  	s22 =	sadd.s32 $0x13600, s30  }
0xb7: {  	[tilespmem:v19+s22+$0x0] =	vst.idx.msk $0xffff, v20  }
0xb8: {  	v46 =	vor.u32 $0x80, v19;
	v20 =	vld.idx.msk [tilespmem:v21+s21+$0x0], $0xffff  }
0xb9: {  	v22 =	vor.u32 $0x2, v16;
	_ =	sdelay $0x3  }
0xba: {  	[tilespmem:v46+s22+$0x0] =	vst.idx.msk $0xffff, v20  }
0xbb: {  	v47 =	vor.u32 $0x100, v19;
	v20 =	vld.idx.msk [tilespmem:v22+s21+$0x0], $0xffff  }
0xbc: {  	v48 =	vor.u32 $0x3, v16;
	_ =	sdelay $0x3  }
0xbd: {  	[tilespmem:v47+s22+$0x0] =	vst.idx.msk $0xffff, v20  }
0xbe: {  	v49 =	vor.u32 $0x180, v19;
	v20 =	vld.idx.msk [tilespmem:v48+s21+$0x0], $0xffff  }
0xbf: {  	v50 =	vor.u32 $0x4, v16;
	_ =	sdelay $0x3  }
0xc0: {  	[tilespmem:v49+s22+$0x0] =	vst.idx.msk $0xffff, v20  }
0xc1: {  	v51 =	vor.u32 $0x200, v19;
	v20 =	vld.idx.msk [tilespmem:v50+s21+$0x0], $0xffff  }
0xc2: {  	v52 =	vor.u32 $0x5, v16;
	_ =	sdelay $0x3  }
0xc3: {  	[tilespmem:v51+s22+$0x0] =	vst.idx.msk $0xffff, v20  }
0xc4: {  	v53 =	vor.u32 $0x280, v19;
	v20 =	vld.idx.msk [tilespmem:v52+s21+$0x0], $0xffff  }
0xc5: {  	v54 =	vor.u32 $0x6, v16;
	_ =	sdelay $0x3  }
0xc6: {  	[tilespmem:v53+s22+$0x0] =	vst.idx.msk $0xffff, v20  }
0xc7: {  	v55 =	vor.u32 $0x300, v19;
	v20 =	vld.idx.msk [tilespmem:v54+s21+$0x0], $0xffff  }
0xc8: {  	v56 =	vor.u32 $0x7, v16;
	_ =	sdelay $0x3  }
0xc9: {  	v17 =	vor.u32 v18, v17;
	[tilespmem:v55+s22+$0x0] =	vst.idx.msk $0xffff, v20  }
0xca: {  	v20 =	vor.u32 $0x380, v17;
	v18 =	vld.idx.msk [tilespmem:v56+s21+$0x0], $0xffff  }
0xcb: {  	v57 =	vor.u32 $0x8, v16;
	_ =	sdelay $0x3  }
0xcc: {  	[tilespmem:v20+s22+$0x0] =	vst.idx.msk $0xffff, v18  }
0xcd: {  	v20 =	vor.u32 $0x800, v19;
	v18 =	vld.idx.msk [tilespmem:v57+s21+$0x0], $0xffff  }
0xce: {  	v58 =	vor.u32 $0x9, v16;
	_ =	sdelay $0x3  }
0xcf: {  	[tilespmem:v20+s22+$0x0] =	vst.idx.msk $0xffff, v18  }
0xd0: {  	v20 =	vor.u32 $0x880, v19;
	v18 =	vld.idx.msk [tilespmem:v58+s21+$0x0], $0xffff  }
0xd1: {  	v59 =	vor.u32 $0xA, v16;
	_ =	sdelay $0x3  }
0xd2: {  	[tilespmem:v20+s22+$0x0] =	vst.idx.msk $0xffff, v18  }
0xd3: {  	v20 =	vor.u32 $0x900, v19;
	v18 =	vld.idx.msk [tilespmem:v59+s21+$0x0], $0xffff  }
0xd4: {  	v60 =	vor.u32 $0xB, v16;
	_ =	sdelay $0x3  }
0xd5: {  	[tilespmem:v20+s22+$0x0] =	vst.idx.msk $0xffff, v18  }
0xd6: {  	v20 =	vor.u32 $0x980, v19;
	v18 =	vld.idx.msk [tilespmem:v60+s21+$0x0], $0xffff  }
0xd7: {  	v61 =	vor.u32 $0xC, v16;
	_ =	sdelay $0x3  }
0xd8: {  	[tilespmem:v20+s22+$0x0] =	vst.idx.msk $0xffff, v18  }
0xd9: {  	v20 =	vor.u32 $0xA00, v19;
	v18 =	vld.idx.msk [tilespmem:v61+s21+$0x0], $0xffff  }
0xda: {  	v62 =	vor.u32 $0xD, v16;
	_ =	sdelay $0x3  }
0xdb: {  	[tilespmem:v20+s22+$0x0] =	vst.idx.msk $0xffff, v18  }
0xdc: {  	v20 =	vor.u32 $0xA80, v19;
	v18 =	vld.idx.msk [tilespmem:v62+s21+$0x0], $0xffff  }
0xdd: {  	v63 =	vor.u32 $0xE, v16;
	_ =	sdelay $0x3  }
0xde: {  	[tilespmem:v20+s22+$0x0] =	vst.idx.msk $0xffff, v18  }
0xdf: {  	v19 =	vor.u32 $0xB00, v19;
	v18 =	vld.idx.msk [tilespmem:v63+s21+$0x0], $0xffff  }
0xe0: {  	v16 =	vor.u32 $0xF, v16;
	_ =	sdelay $0x2  }
0xe1: {  	s31 =	sadd.s32 $0x0, s23;
	s24 =	simm.s32 $0x10  }
0xe2: {  	s25 =	sshll.u32 s31, $0x7;
	s26 =	sand.u32 $0x70, s24;
	[tilespmem:v19+s22+$0x0] =	vst.idx.msk $0xffff, v18  }
0xe3: {  	s26 =	sor.u32 s26, s25;
	v18 =	vor.u32 $0xB80, v17;
	v16 =	vld.idx.msk [tilespmem:v16+s21+$0x0], $0xffff  }
0xe4: {  	s25 =	simm.s32 $0x2;
	v17 =	vor.u32 s26, v0  }
.LBB2_5:
0xe5: {  	_ =	sdelay $0x2  }
0xe6: {  	p0 =	sne.s32 s25, $0xF;
	s26 =	smov.u32 s25;
	s25 =	sadd.s32 $0x1, s25;
	[tilespmem:v18+s22+$0x0] =	vst.idx.msk $0xffff, v16  }
0xe7: {  	v16 =	vld.idx.msk [tilespmem:v17+s3+$0x0], $0xffff;
	_ =	sdelay $0x5  }
0xe8: {  	v17 =	vshra.s32 v16, $0x1F  }
0xe9: {  	v17 =	vshrl.u32 v17, $0x1D  }
0xea: {  	v17 =	vadd.s32 v17, v16  }
0xeb: {  	v17 =	vshrl.u32 v17, $0x3  }
0xec: {  	v17 =	vshll.u32 v17, $0x3  }
0xed: {  	v16 =	vsub.s32 v16, v17  }
0xee: {  	v17 =	vor.u32 s24, v0;
	v16 =	vshll.u32 v16, $0x4  }
0xef: {  	v19 =	vshll.u32 v17, $0x7;
	v18 =	vand.u32 $0xFFFFFF80, v16  }
0xf0: {  	v16 =	vand.u32 $0x70, v16;
	v18 =	vadd.s32 v19, v18  }
0xf1: {  	v16 =	vor.u32 v16, v18;
	_ =	sdelay $0x2  }
0xf2: {  	v18 =	vmov s24  }
0xf3: {  	v18 =	vshll.u32 v18, $0x3  }
0xf4: {  	v20 =	vand.u32 $0x7F, v17;
	v17 =	vand.u32 $0x400, v18;
	v19 =	vld.idx.msk [tilespmem:v16+s21+$0x0], $0xffff  }
0xf5: {  	v17 =	vor.u32 v20, v17  }
0xf6: {  	v21 =	vor.u32 $0x1, v16;
	_ =	sdelay $0x3  }
0xf7: {  	[tilespmem:v17+s22+$0x0] =	vst.idx.msk $0xffff, v19  }
0xf8: {  	v19 =	vld.idx.msk [tilespmem:v21+s21+$0x0], $0xffff  }
0xf9: {  	v21 =	vor.u32 $0x80, v17  }
0xfa: {  	v22 =	vor.u32 $0x2, v16;
	_ =	sdelay $0x3  }
0xfb: {  	[tilespmem:v21+s22+$0x0] =	vst.idx.msk $0xffff, v19  }
0xfc: {  	v19 =	vld.idx.msk [tilespmem:v22+s21+$0x0], $0xffff  }
0xfd: {  	v21 =	vor.u32 $0x100, v17  }
0xfe: {  	v22 =	vor.u32 $0x3, v16;
	_ =	sdelay $0x3  }
0xff: {  	[tilespmem:v21+s22+$0x0] =	vst.idx.msk $0xffff, v19  }
0x100: {  	v19 =	vld.idx.msk [tilespmem:v22+s21+$0x0], $0xffff  }
0x101: {  	v21 =	vor.u32 $0x180, v17  }
0x102: {  	v22 =	vor.u32 $0x4, v16;
	_ =	sdelay $0x3  }
0x103: {  	[tilespmem:v21+s22+$0x0] =	vst.idx.msk $0xffff, v19  }
0x104: {  	v19 =	vld.idx.msk [tilespmem:v22+s21+$0x0], $0xffff  }
0x105: {  	v21 =	vor.u32 $0x200, v17  }
0x106: {  	v22 =	vor.u32 $0x5, v16;
	_ =	sdelay $0x3  }
0x107: {  	[tilespmem:v21+s22+$0x0] =	vst.idx.msk $0xffff, v19  }
0x108: {  	v19 =	vld.idx.msk [tilespmem:v22+s21+$0x0], $0xffff  }
0x109: {  	v21 =	vor.u32 $0x280, v17  }
0x10a: {  	v22 =	vor.u32 $0x6, v16;
	_ =	sdelay $0x3  }
0x10b: {  	[tilespmem:v21+s22+$0x0] =	vst.idx.msk $0xffff, v19  }
0x10c: {  	v19 =	vld.idx.msk [tilespmem:v22+s21+$0x0], $0xffff  }
0x10d: {  	v21 =	vor.u32 $0x300, v17  }
0x10e: {  	v22 =	vor.u32 $0x7, v16;
	_ =	sdelay $0x3  }
0x10f: {  	[tilespmem:v21+s22+$0x0] =	vst.idx.msk $0xffff, v19  }
0x110: {  	v18 =	vor.u32 v18, v20;
	v19 =	vld.idx.msk [tilespmem:v22+s21+$0x0], $0xffff  }
0x111: {  	v20 =	vor.u32 $0x380, v18  }
0x112: {  	v21 =	vor.u32 $0x8, v16;
	_ =	sdelay $0x3  }
0x113: {  	[tilespmem:v20+s22+$0x0] =	vst.idx.msk $0xffff, v19  }
0x114: {  	v19 =	vld.idx.msk [tilespmem:v21+s21+$0x0], $0xffff  }
0x115: {  	v20 =	vor.u32 $0x800, v17  }
0x116: {  	v21 =	vor.u32 $0x9, v16;
	_ =	sdelay $0x3  }
0x117: {  	[tilespmem:v20+s22+$0x0] =	vst.idx.msk $0xffff, v19  }
0x118: {  	v19 =	vld.idx.msk [tilespmem:v21+s21+$0x0], $0xffff  }
0x119: {  	v20 =	vor.u32 $0x880, v17  }
0x11a: {  	v21 =	vor.u32 $0xA, v16;
	_ =	sdelay $0x3  }
0x11b: {  	[tilespmem:v20+s22+$0x0] =	vst.idx.msk $0xffff, v19  }
0x11c: {  	v19 =	vld.idx.msk [tilespmem:v21+s21+$0x0], $0xffff  }
0x11d: {  	v20 =	vor.u32 $0x900, v17  }
0x11e: {  	v21 =	vor.u32 $0xB, v16;
	_ =	sdelay $0x3  }
0x11f: {  	[tilespmem:v20+s22+$0x0] =	vst.idx.msk $0xffff, v19  }
0x120: {  	v19 =	vld.idx.msk [tilespmem:v21+s21+$0x0], $0xffff  }
0x121: {  	v20 =	vor.u32 $0x980, v17  }
0x122: {  	v21 =	vor.u32 $0xC, v16;
	_ =	sdelay $0x3  }
0x123: {  	[tilespmem:v20+s22+$0x0] =	vst.idx.msk $0xffff, v19  }
0x124: {  	v19 =	vld.idx.msk [tilespmem:v21+s21+$0x0], $0xffff  }
0x125: {  	v20 =	vor.u32 $0xA00, v17  }
0x126: {  	v21 =	vor.u32 $0xD, v16;
	_ =	sdelay $0x3  }
0x127: {  	[tilespmem:v20+s22+$0x0] =	vst.idx.msk $0xffff, v19  }
0x128: {  	v19 =	vld.idx.msk [tilespmem:v21+s21+$0x0], $0xffff  }
0x129: {  	v20 =	vor.u32 $0xA80, v17  }
0x12a: {  	v21 =	vor.u32 $0xE, v16;
	_ =	sdelay $0x3  }
0x12b: {  	[tilespmem:v20+s22+$0x0] =	vst.idx.msk $0xffff, v19  }
0x12c: {  	v19 =	vld.idx.msk [tilespmem:v21+s21+$0x0], $0xffff  }
0x12d: {  	v17 =	vor.u32 $0xB00, v17  }
0x12e: {  	v16 =	vor.u32 $0xF, v16;
	_ =	sdelay $0x2  }
.Ltmp1:
0x12f: {  	s26 =	sshrl.u32 s26, $0x3;
	(pc) =	sbr.rel @p0 .LBB2_5-.Ltmp1, $4  }
0x130: {  	s26 =	sadd.s32 s23, s26;
	s24 =	sadd.s32 $0x10, s24;
	[tilespmem:v17+s22+$0x0] =	vst.idx.msk $0xffff, v19  }
0x131: {  	s26 =	sshll.u32 s26, $0x7;
	s28 =	sand.u32 $0x70, s24;
	v16 =	vld.idx.msk [tilespmem:v16+s21+$0x0], $0xffff  }
0x132: {  	s26 =	sor.u32 s28, s26;
	v18 =	vor.u32 $0xB80, v18  }
0x133: {  	v17 =	vor.u32 s26, v0  }
0x134: {  	_ =	sdelay $0x3  }
0x135: {  	[tilespmem:v18+s22+$0x0] =	vst.idx.msk $0xffff, v16  }
0x136: {  	v16 =	vld.idx.msk [tilespmem:v17+s3+$0x0], $0xffff;
	_ =	sdelay $0x4  }
0x137: {  	v17 =	vshra.s32 v16, $0x1F  }
0x138: {  	v17 =	vshrl.u32 v17, $0x1D  }
0x139: {  	v17 =	vadd.s32 v17, v16  }
0x13a: {  	v17 =	vshrl.u32 v17, $0x3  }
0x13b: {  	v17 =	vshll.u32 v17, $0x3  }
0x13c: {  	v16 =	vsub.s32 v16, v17  }
0x13d: {  	v17 =	vor.u32 s24, v0;
	v16 =	vshll.u32 v16, $0x4  }
0x13e: {  	v19 =	vshll.u32 v17, $0x7;
	v35 =	vand.u32 $0xFFFFFF80, v16  }
0x13f: {  	v16 =	vand.u32 $0x70, v16;
	v18 =	vadd.s32 v19, v35  }
0x140: {  	v16 =	vor.u32 v16, v18;
	_ =	sdelay $0x1  }
0x141: {  	v36 =	vmov s24  }
0x142: {  	v18 =	vshll.u32 v36, $0x3  }
0x143: {  	v17 =	vand.u32 $0x7F, v17;
	v37 =	vand.u32 $0x400, v18  }
0x144: {  	v19 =	vor.u32 v17, v37;
	v20 =	vld.idx.msk [tilespmem:v16+s21+$0x0], $0xffff  }
0x145: {  	v21 =	vor.u32 $0x1, v16;
	_ =	sdelay $0x3  }
0x146: {  	[tilespmem:v19+s22+$0x0] =	vst.idx.msk $0xffff, v20  }
0x147: {  	v38 =	vor.u32 $0x80, v19;
	v20 =	vld.idx.msk [tilespmem:v21+s21+$0x0], $0xffff  }
0x148: {  	v22 =	vor.u32 $0x2, v16;
	_ =	sdelay $0x3  }
0x149: {  	[tilespmem:v38+s22+$0x0] =	vst.idx.msk $0xffff, v20  }
0x14a: {  	v39 =	vor.u32 $0x100, v19;
	v20 =	vld.idx.msk [tilespmem:v22+s21+$0x0], $0xffff  }
0x14b: {  	v40 =	vor.u32 $0x3, v16;
	_ =	sdelay $0x3  }
0x14c: {  	[tilespmem:v39+s22+$0x0] =	vst.idx.msk $0xffff, v20  }
0x14d: {  	v41 =	vor.u32 $0x180, v19;
	v20 =	vld.idx.msk [tilespmem:v40+s21+$0x0], $0xffff  }
0x14e: {  	v42 =	vor.u32 $0x4, v16;
	_ =	sdelay $0x3  }
0x14f: {  	[tilespmem:v41+s22+$0x0] =	vst.idx.msk $0xffff, v20  }
0x150: {  	v43 =	vor.u32 $0x200, v19;
	v20 =	vld.idx.msk [tilespmem:v42+s21+$0x0], $0xffff  }
0x151: {  	v44 =	vor.u32 $0x5, v16;
	_ =	sdelay $0x3  }
0x152: {  	[tilespmem:v43+s22+$0x0] =	vst.idx.msk $0xffff, v20  }
0x153: {  	v45 =	vor.u32 $0x280, v19;
	v20 =	vld.idx.msk [tilespmem:v44+s21+$0x0], $0xffff  }
0x154: {  	v46 =	vor.u32 $0x6, v16;
	_ =	sdelay $0x3  }
0x155: {  	[tilespmem:v45+s22+$0x0] =	vst.idx.msk $0xffff, v20  }
0x156: {  	v47 =	vor.u32 $0x300, v19;
	v20 =	vld.idx.msk [tilespmem:v46+s21+$0x0], $0xffff  }
0x157: {  	v48 =	vor.u32 $0x7, v16;
	_ =	sdelay $0x3  }
0x158: {  	v17 =	vor.u32 v18, v17;
	[tilespmem:v47+s22+$0x0] =	vst.idx.msk $0xffff, v20  }
0x159: {  	v50 =	vor.u32 $0x380, v17;
	v49 =	vld.idx.msk [tilespmem:v48+s21+$0x0], $0xffff  }
0x15a: {  	v51 =	vor.u32 $0x8, v16;
	_ =	sdelay $0x3  }
0x15b: {  	[tilespmem:v50+s22+$0x0] =	vst.idx.msk $0xffff, v49  }
0x15c: {  	v52 =	vor.u32 $0x800, v19;
	v18 =	vld.idx.msk [tilespmem:v51+s21+$0x0], $0xffff  }
0x15d: {  	v53 =	vor.u32 $0x9, v16;
	_ =	sdelay $0x3  }
0x15e: {  	[tilespmem:v52+s22+$0x0] =	vst.idx.msk $0xffff, v18  }
0x15f: {  	v54 =	vor.u32 $0x880, v19;
	v18 =	vld.idx.msk [tilespmem:v53+s21+$0x0], $0xffff  }
0x160: {  	v55 =	vor.u32 $0xA, v16;
	_ =	sdelay $0x3  }
0x161: {  	[tilespmem:v54+s22+$0x0] =	vst.idx.msk $0xffff, v18  }
0x162: {  	v56 =	vor.u32 $0x900, v19;
	v18 =	vld.idx.msk [tilespmem:v55+s21+$0x0], $0xffff  }
0x163: {  	v57 =	vor.u32 $0xB, v16;
	_ =	sdelay $0x3  }
0x164: {  	[tilespmem:v56+s22+$0x0] =	vst.idx.msk $0xffff, v18  }
0x165: {  	v58 =	vor.u32 $0x980, v19;
	v18 =	vld.idx.msk [tilespmem:v57+s21+$0x0], $0xffff  }
0x166: {  	v59 =	vor.u32 $0xC, v16;
	_ =	sdelay $0x3  }
0x167: {  	[tilespmem:v58+s22+$0x0] =	vst.idx.msk $0xffff, v18  }
0x168: {  	v60 =	vor.u32 $0xA00, v19;
	v18 =	vld.idx.msk [tilespmem:v59+s21+$0x0], $0xffff  }
0x169: {  	v61 =	vor.u32 $0xD, v16;
	_ =	sdelay $0x3  }
0x16a: {  	[tilespmem:v60+s22+$0x0] =	vst.idx.msk $0xffff, v18  }
0x16b: {  	v62 =	vor.u32 $0xA80, v19;
	v18 =	vld.idx.msk [tilespmem:v61+s21+$0x0], $0xffff  }
0x16c: {  	v63 =	vor.u32 $0xE, v16;
	_ =	sdelay $0x3  }
0x16d: {  	[tilespmem:v62+s22+$0x0] =	vst.idx.msk $0xffff, v18  }
0x16e: {  	v19 =	vor.u32 $0xB00, v19;
	v18 =	vld.idx.msk [tilespmem:v63+s21+$0x0], $0xffff  }
0x16f: {  	v16 =	vor.u32 $0xF, v16;
	_ =	sdelay $0x3  }
0x170: {  	[tilespmem:v19+s22+$0x0] =	vst.idx.msk $0xffff, v18  }
0x171: {  	v17 =	vor.u32 $0xB80, v17;
	v16 =	vld.idx.msk [tilespmem:v16+s21+$0x0], $0xffff;
	_ =	sdelay $0x1  }
0x172: {  	s20 =	sshll.u32 s20, $0xB;
	p0 =	sne.s32 s19, $0x34  }
.Ltmp2:
0x173: {  	s20 =	sadd.s32 s6, s20;
	(pc) =	sbr.rel @p0 .LBB2_2-.Ltmp2, $4  }
0x174: {  	s20 =	sshrl.u32 s20, $0x3  }
0x175: {  	s20 =	sadd.s32 s2, s20;
	[tilespmem:v17+s22+$0x0] =	vst.idx.msk $0xffff, v16  }
0x176: {  	[hbm4b:s20+s15] =	stream.strided.scatter [tilespmem:s22], [sflag:$0x2], $0x1000, s16, s15, $0x38;
	[tilespmem:$0x15600] =	vst v63  }
0x177: {  	s20 =	smov.u32 s19  }
0x178: {  	s18 =	sadd.s32 $0x1, s18  }
0x179: {  	_ =	swait.ge [sflag:s17], $0x1000;
	p0 =	sne.s32 s18, s7  }
.Ltmp3:
0x17a: {  	[sflag:s17] =	ssyncset.done $0x0;
	(pc) =	sbr.rel @p0 .LBB2_1-.Ltmp3, $4  }
0x17b: {  	[sflag:s17] =	ssyncadd.s32 $0xFFFFF000  }
0x17c: {  	_ =	swait.ge [sflag:s17], $0x1000  }
0x17d: {  	[sflag:s17] =	ssyncset.done $0x0  }
0x17e: {  	[sflag:s17] =	ssyncadd.s32 $0xFFFFF000  }
0x17f: {  	_ =	sfence.sel $0x180000  }
0x180: {  	[bflag:$0x0] =	sbarrier.arrive $0xFFFF  }
0x181: {  	p0 =	sne.s32 s0, $0x0;
	_ =	strace $0x90000047  }
0x182: {  	s0 =	sadd.s32 @!p0 $0x100000, s1;
	[bflag:$0x2] =	sbarrier.arrive $0xFFFF  }
0x183: {  	[sflag:s0] =	ssyncadd.tile.s32 @!p0 $0x1;
	_ =	shalt  }
.Lfunc_end2:
_tile_overlayer_lowered:
.L_overlay_start_2:
0x184: {  	(tag) =	ssettag $0x2  }
0x185: {  	s0 =	rddreg [dreg:$0x0];
	s2 =	stileid.u32  }
0x186: {  	s1 =	rddreg [dreg:$0x1];
	p0 =	sne.s32 s2, $0x0  }
0x187: {  	s3 =	rddreg [dreg:$0x2];
	[bflag:$0x3] =	sbarrier.arrive $0xFFFF;
	s2 =	simm.s32 @!p0 $0x1C03  }
0x188: {  	[timem:s3], [sflag:s2] =	dma.local @!p0 [hbm:s0], s1  }
0x189: {  	s0 =	simm.s32 @!p0 $0x3  }
0x18a: {  	_ =	swait.ge @!p0 [sflag:s0], s1  }
0x18b: {  	s1 =	ssub.s32 @!p0 $0x0, s1;
	[sflag:s0] =	ssyncset.done @!p0 $0x0  }
0x18c: {  	[sflag:s0] =	ssyncadd.s32 @!p0 s1  }
0x18d: {  	[bflag:$0x3] =	sbarrier.arrive $0xFFFF  }
0x18e: {  	_ =	shalt  }

</sc_bundles>
